<compile_context>
chip_gen: v7x
topology: tpu7x:2x2x1
jax: 0.10.2.dev20260603
libtpu: 0.0.44.dev20260713+nightly
codegen_flags: <defaults>
</compile_context>

<pallas_src>
import functools

import jax
import jax.numpy as jnp
from jax import lax
from jax.experimental import pallas as pl
from jax.experimental.pallas import tpu as pltpu
from jax.experimental.pallas import tpu_sc as plsc

EMB_D = 1024


@functools.cache
def _make_lookup(B: int, D: int):
    info = plsc.get_sparse_core_info()
    NC, NS = info.num_cores, info.num_subcores
    NW = NC * NS
    assert B % NW == 0
    b_per_w = B // NW
    C = 8
    NBUF = 8
    AHEAD = 6
    n_chunks = b_per_w // C
    n_outer = n_chunks // NBUF
    assert b_per_w % C == 0 and n_chunks % NBUF == 0 and AHEAD < NBUF

    mesh = plsc.VectorSubcoreMesh(core_axis_name="c", subcore_axis_name="s")

    @functools.partial(
        pl.kernel,
        mesh=mesh,
        out_type=jax.ShapeDtypeStruct((B, D), jnp.float32),
        scratch_types=[
            pltpu.VMEM((b_per_w,), jnp.int32),
            *[pltpu.VMEM((C, D), jnp.float32) for _ in range(NBUF)],
            *[pltpu.SemaphoreType.DMA for _ in range(2 * NBUF)],
        ],
    )
    def lookup(idx_hbm, table_hbm, out_hbm, idx_v, *bufs_sems):
        bufs = bufs_sems[:NBUF]
        gsems = bufs_sems[NBUF : 2 * NBUF]
        wsems = bufs_sems[2 * NBUF :]
        wid = lax.axis_index("s") * NC + lax.axis_index("c")
        base = wid * b_per_w
        pltpu.sync_copy(idx_hbm.at[pl.ds(base, b_per_w)], idx_v)

        def fire_gather(i, b):
            return pltpu.async_copy(
                table_hbm.at[idx_v.at[pl.ds(i * C, C)]], bufs[b], gsems[b]
            )

        def fire_writeback(i, b):
            return pltpu.async_copy(
                bufs[b], out_hbm.at[pl.ds(base + i * C, C)], wsems[b]
            )

        def wait_gather(b):
            pltpu.make_async_copy(
                table_hbm.at[idx_v.at[pl.ds(0, C)]], bufs[b], gsems[b]
            ).wait()

        def wait_writeback(b):
            pltpu.make_async_copy(
                bufs[b], out_hbm.at[pl.ds(base, C)], wsems[b]
            ).wait()

        S = NBUF - AHEAD
        for j in range(AHEAD):
            fire_gather(j, j % NBUF)

        def outer(g, carry):
            t0 = g * NBUF
            for b in range(NBUF):
                t = t0 + b
                wait_gather(b)
                fire_writeback(t, b)
                rb = (b + AHEAD) % NBUF
                rx = t + AHEAD

                @pl.when(rx < n_chunks)
                def _():
                    @pl.when(t >= S)
                    def _():
                        wait_writeback(rb)

                    fire_gather(rx, rb)

            return carry

        lax.fori_loop(0, n_outer, outer, 0)
        for b in range(NBUF):
            wait_writeback(b)

    return lookup


def kernel(input_ids, embedding_table):
    input_shape = input_ids.shape
    flat_ids = input_ids.reshape(-1).astype(jnp.int32)
    out = _make_lookup(flat_ids.shape[0], EMB_D)(flat_ids, embedding_table)
    return (out.reshape(input_shape + (EMB_D,)), embedding_table)

# --- scband reference (transcript-rebuilt; emitter-appended) ---
"""Pipeline reference for scband-embedding-lookup-61933428408346 (READ-ONLY COPY).

The authoritative reference and input builder live on the scoring server;
editing this copy changes nothing except your own understanding.
"""

import jax, jax.numpy as jnp
import numpy as np

VOCAB_SIZE = 36560
EMBEDDING_SIZE = 1024

def setup_inputs(seed: int = 0) -> dict:
    key = jax.random.key(seed)
    k1, k2 = jax.random.split(key)
    input_ids = jax.random.randint(k1, (4, 4096), 0, VOCAB_SIZE, dtype=jnp.int64 if jax.config.jax_enable_x64 else jnp.int32)
    # normal_weight: N(0, embedding_size**-0.5)
    embedding_table = jax.random.normal(k2, (VOCAB_SIZE, EMBEDDING_SIZE), dtype=jnp.float32) * (EMBEDDING_SIZE ** (-0.5))
    return {"input_ids": input_ids, "embedding_table": embedding_table}

def reference(input_ids, embedding_table):
    input_shape = input_ids.shape
    flat_ids = input_ids.reshape(-1)
    # use_one_hot_embeddings=False path: gather rows
    output_for_reshape = jnp.take(embedding_table, flat_ids, axis=0)
    out_shape = input_shape + (EMBEDDING_SIZE,)
    output = output_for_reshape.reshape(out_shape)
    return (output, embedding_table)

if __name__ == "__main__":
    import jax
    _d = setup_inputs()
    print(jax.jit(kernel)(*tuple(_d.values())))

</pallas_src>

<mosaic_0001>
#map = affine_map<(d0, d1) -> (0)>
#map1 = affine_map<(d0, d1) -> (0, 0)>
module attributes {stable_mosaic.version = 14 : i64} {
  func.func @lookup(%arg0: i32, %arg1: i32, %arg2: memref<16384xi32, #tpu.memory_space<hbm>>, %arg3: memref<36560x1024xf32, #tpu.memory_space<hbm>>, %arg4: memref<16384x1024xf32, #tpu.memory_space<hbm>>, %arg5: memref<512xi32, #tpu.memory_space<vmem>>, %arg6: memref<8x1024xf32, #tpu.memory_space<vmem>>, %arg7: memref<8x1024xf32, #tpu.memory_space<vmem>>, %arg8: memref<8x1024xf32, #tpu.memory_space<vmem>>, %arg9: memref<8x1024xf32, #tpu.memory_space<vmem>>, %arg10: memref<8x1024xf32, #tpu.memory_space<vmem>>, %arg11: memref<8x1024xf32, #tpu.memory_space<vmem>>, %arg12: memref<8x1024xf32, #tpu.memory_space<vmem>>, %arg13: memref<8x1024xf32, #tpu.memory_space<vmem>>, %arg14: memref<!tpu.dma_semaphore, #tpu.memory_space<semaphore_mem>>, %arg15: memref<!tpu.dma_semaphore, #tpu.memory_space<semaphore_mem>>, %arg16: memref<!tpu.dma_semaphore, #tpu.memory_space<semaphore_mem>>, %arg17: memref<!tpu.dma_semaphore, #tpu.memory_space<semaphore_mem>>, %arg18: memref<!tpu.dma_semaphore, #tpu.memory_space<semaphore_mem>>, %arg19: memref<!tpu.dma_semaphore, #tpu.memory_space<semaphore_mem>>, %arg20: memref<!tpu.dma_semaphore, #tpu.memory_space<semaphore_mem>>, %arg21: memref<!tpu.dma_semaphore, #tpu.memory_space<semaphore_mem>>, %arg22: memref<!tpu.dma_semaphore, #tpu.memory_space<semaphore_mem>>, %arg23: memref<!tpu.dma_semaphore, #tpu.memory_space<semaphore_mem>>, %arg24: memref<!tpu.dma_semaphore, #tpu.memory_space<semaphore_mem>>, %arg25: memref<!tpu.dma_semaphore, #tpu.memory_space<semaphore_mem>>, %arg26: memref<!tpu.dma_semaphore, #tpu.memory_space<semaphore_mem>>, %arg27: memref<!tpu.dma_semaphore, #tpu.memory_space<semaphore_mem>>, %arg28: memref<!tpu.dma_semaphore, #tpu.memory_space<semaphore_mem>>, %arg29: memref<!tpu.dma_semaphore, #tpu.memory_space<semaphore_mem>>) attributes {dimension_semantics = [#tpu.dimension_semantics<core_parallel>, #tpu.dimension_semantics<subcore_parallel>], iteration_bounds = array<i64: 2, 16>, scalar_prefetch = 0 : i64, scratch_operands = 25 : i64, tpu.core_type = #tpu.core_type<sc_vector_subcore>, window_params = [{transform_indices = #map}, {transform_indices = #map1}, {transform_indices = #map1}]} {
    %mul3A = arith.constant 2 : i32
    %mul3A_0 = arith.muli %arg1, %mul3A : i32
    %add3A = arith.addi %mul3A_0, %arg0 : i32
    %mul3A_1 = arith.constant 512 : i32
    %mul3A_2 = arith.muli %add3A, %mul3A_1 : i32
    "tpu.region"() ({
      %run_scoped3A = tpu.sem_alloc : memref<!tpu.dma_semaphore, #tpu.memory_space<semaphore_mem>>
      %dma_start3A_68 = tpu.memref_slice %arg2[%mul3A_2] : memref<16384xi32, #tpu.memory_space<hbm>> -> memref<512xi32, #tpu.memory_space<hbm>>
      %dma_start3A_69 = tpu.memref_slice %arg2[%mul3A_2] : memref<16384xi32, #tpu.memory_space<hbm>> -> memref<512xi32, #tpu.memory_space<hbm>>
      tpu.enqueue_dma source(%dma_start3A_69 : memref<512xi32, #tpu.memory_space<hbm>>) target(%arg5 : memref<512xi32, #tpu.memory_space<vmem>>) target_semaphore(%run_scoped3A : memref<!tpu.dma_semaphore, #tpu.memory_space<semaphore_mem>>)
      %dma_wait3A_70 = tpu.memref_slice %arg2[%mul3A_2] : memref<16384xi32, #tpu.memory_space<hbm>> -> memref<512xi32, #tpu.memory_space<hbm>>
      %dma_wait3A_71 = tpu.memref_slice %arg2[%mul3A_2] : memref<16384xi32, #tpu.memory_space<hbm>> -> memref<512xi32, #tpu.memory_space<hbm>>
      tpu.wait_dma2 semaphore(%run_scoped3A : memref<!tpu.dma_semaphore, #tpu.memory_space<semaphore_mem>>) src(%dma_wait3A_71 : memref<512xi32, #tpu.memory_space<hbm>>) dst(%arg5 : memref<512xi32, #tpu.memory_space<vmem>>)
      tpu.yield
    }) : () -> ()
    %dma_start3A = arith.constant 0 : i32
    %dma_start3A_3 = tpu.memref_slice %arg5[%dma_start3A] : memref<512xi32, #tpu.memory_space<vmem>> -> memref<8xi32, #tpu.memory_space<vmem>>
    %dma_start3A_4 = arith.constant 0 : i32
    %dma_start3A_5 = arith.constant 0 : i32
    %dma_start3A_6 = tpu.memref_slice %arg3[%dma_start3A_4, %dma_start3A_5] : memref<36560x1024xf32, #tpu.memory_space<hbm>> -> memref<36560x1024xf32, #tpu.memory_space<hbm>>
    tpu.enqueue_indirect_dma source(%dma_start3A_6 : memref<36560x1024xf32, #tpu.memory_space<hbm>>) target(%arg6 : memref<8x1024xf32, #tpu.memory_space<vmem>>) offsets(%dma_start3A_3 : memref<8xi32, #tpu.memory_space<vmem>>) semaphore(%arg14 : memref<!tpu.dma_semaphore, #tpu.memory_space<semaphore_mem>>)
    %dma_start3A_7 = arith.constant 8 : i32
    %dma_start3A_8 = tpu.memref_slice %arg5[%dma_start3A_7] : memref<512xi32, #tpu.memory_space<vmem>> -> memref<8xi32, #tpu.memory_space<vmem>>
    %dma_start3A_9 = arith.constant 0 : i32
    %dma_start3A_10 = arith.constant 0 : i32
    %dma_start3A_11 = tpu.memref_slice %arg3[%dma_start3A_9, %dma_start3A_10] : memref<36560x1024xf32, #tpu.memory_space<hbm>> -> memref<36560x1024xf32, #tpu.memory_space<hbm>>
    tpu.enqueue_indirect_dma source(%dma_start3A_11 : memref<36560x1024xf32, #tpu.memory_space<hbm>>) target(%arg7 : memref<8x1024xf32, #tpu.memory_space<vmem>>) offsets(%dma_start3A_8 : memref<8xi32, #tpu.memory_space<vmem>>) semaphore(%arg15 : memref<!tpu.dma_semaphore, #tpu.memory_space<semaphore_mem>>)
    %dma_start3A_12 = arith.constant 16 : i32
    %dma_start3A_13 = tpu.memref_slice %arg5[%dma_start3A_12] : memref<512xi32, #tpu.memory_space<vmem>> -> memref<8xi32, #tpu.memory_space<vmem>>
    %dma_start3A_14 = arith.constant 0 : i32
    %dma_start3A_15 = arith.constant 0 : i32
    %dma_start3A_16 = tpu.memref_slice %arg3[%dma_start3A_14, %dma_start3A_15] : memref<36560x1024xf32, #tpu.memory_space<hbm>> -> memref<36560x1024xf32, #tpu.memory_space<hbm>>
    tpu.enqueue_indirect_dma source(%dma_start3A_16 : memref<36560x1024xf32, #tpu.memory_space<hbm>>) target(%arg8 : memref<8x1024xf32, #tpu.memory_space<vmem>>) offsets(%dma_start3A_13 : memref<8xi32, #tpu.memory_space<vmem>>) semaphore(%arg16 : memref<!tpu.dma_semaphore, #tpu.memory_space<semaphore_mem>>)
    %dma_start3A_17 = arith.constant 24 : i32
    %dma_start3A_18 = tpu.memref_slice %arg5[%dma_start3A_17] : memref<512xi32, #tpu.memory_space<vmem>> -> memref<8xi32, #tpu.memory_space<vmem>>
    %dma_start3A_19 = arith.constant 0 : i32
    %dma_start3A_20 = arith.constant 0 : i32
    %dma_start3A_21 = tpu.memref_slice %arg3[%dma_start3A_19, %dma_start3A_20] : memref<36560x1024xf32, #tpu.memory_space<hbm>> -> memref<36560x1024xf32, #tpu.memory_space<hbm>>
    tpu.enqueue_indirect_dma source(%dma_start3A_21 : memref<36560x1024xf32, #tpu.memory_space<hbm>>) target(%arg9 : memref<8x1024xf32, #tpu.memory_space<vmem>>) offsets(%dma_start3A_18 : memref<8xi32, #tpu.memory_space<vmem>>) semaphore(%arg17 : memref<!tpu.dma_semaphore, #tpu.memory_space<semaphore_mem>>)
    %dma_start3A_22 = arith.constant 32 : i32
    %dma_start3A_23 = tpu.memref_slice %arg5[%dma_start3A_22] : memref<512xi32, #tpu.memory_space<vmem>> -> memref<8xi32, #tpu.memory_space<vmem>>
    %dma_start3A_24 = arith.constant 0 : i32
    %dma_start3A_25 = arith.constant 0 : i32
    %dma_start3A_26 = tpu.memref_slice %arg3[%dma_start3A_24, %dma_start3A_25] : memref<36560x1024xf32, #tpu.memory_space<hbm>> -> memref<36560x1024xf32, #tpu.memory_space<hbm>>
    tpu.enqueue_indirect_dma source(%dma_start3A_26 : memref<36560x1024xf32, #tpu.memory_space<hbm>>) target(%arg10 : memref<8x1024xf32, #tpu.memory_space<vmem>>) offsets(%dma_start3A_23 : memref<8xi32, #tpu.memory_space<vmem>>) semaphore(%arg18 : memref<!tpu.dma_semaphore, #tpu.memory_space<semaphore_mem>>)
    %dma_start3A_27 = arith.constant 40 : i32
    %dma_start3A_28 = tpu.memref_slice %arg5[%dma_start3A_27] : memref<512xi32, #tpu.memory_space<vmem>> -> memref<8xi32, #tpu.memory_space<vmem>>
    %dma_start3A_29 = arith.constant 0 : i32
    %dma_start3A_30 = arith.constant 0 : i32
    %dma_start3A_31 = tpu.memref_slice %arg3[%dma_start3A_29, %dma_start3A_30] : memref<36560x1024xf32, #tpu.memory_space<hbm>> -> memref<36560x1024xf32, #tpu.memory_space<hbm>>
    tpu.enqueue_indirect_dma source(%dma_start3A_31 : memref<36560x1024xf32, #tpu.memory_space<hbm>>) target(%arg11 : memref<8x1024xf32, #tpu.memory_space<vmem>>) offsets(%dma_start3A_28 : memref<8xi32, #tpu.memory_space<vmem>>) semaphore(%arg19 : memref<!tpu.dma_semaphore, #tpu.memory_space<semaphore_mem>>)
    %scan3A = arith.constant 0 : i32
    %scan3A_32 = arith.constant 0 : i32
    %scan3A_33 = arith.constant 8 : i32
    %scan3A_34 = arith.addi %scan3A_32, %scan3A_33 : i32
    %scan3A_35 = arith.constant 1 : i32
    scf.for %scan3A_68 = %scan3A_32 to %scan3A_34 step %scan3A_35  : i32 {
      %mul3A_69 = arith.constant 8 : i32
      %mul3A_70 = arith.muli %scan3A_68, %mul3A_69 : i32
      %add3A_71 = arith.constant 0 : i32
      %add3A_72 = arith.addi %mul3A_70, %add3A_71 : i32
      %dma_wait3A_73 = arith.constant 0 : i32
      %dma_wait3A_74 = tpu.memref_slice %arg5[%dma_wait3A_73] : memref<512xi32, #tpu.memory_space<vmem>> -> memref<8xi32, #tpu.memory_space<vmem>>
      %dma_wait3A_75 = arith.constant 0 : i32
      %dma_wait3A_76 = arith.constant 0 : i32
      %dma_wait3A_77 = tpu.memref_slice %arg3[%dma_wait3A_75, %dma_wait3A_76] : memref<36560x1024xf32, #tpu.memory_space<hbm>> -> memref<36560x1024xf32, #tpu.memory_space<hbm>>
      tpu.wait_indirect_dma semaphore(%arg14 : memref<!tpu.dma_semaphore, #tpu.memory_space<semaphore_mem>>) src(%dma_wait3A_77 : memref<36560x1024xf32, #tpu.memory_space<hbm>>) dst(%arg6 : memref<8x1024xf32, #tpu.memory_space<vmem>>)
      %mul3A_78 = arith.constant 8 : i32
      %mul3A_79 = arith.muli %add3A_72, %mul3A_78 : i32
      %add3A_80 = arith.addi %mul3A_2, %mul3A_79 : i32
      %dma_start3A_81 = arith.constant 0 : i32
      %dma_start3A_82 = tpu.memref_slice %arg4[%add3A_80, %dma_start3A_81] : memref<16384x1024xf32, #tpu.memory_space<hbm>> -> memref<8x1024xf32, #tpu.memory_space<hbm>>
      %dma_start3A_83 = arith.constant 0 : i32
      %dma_start3A_84 = tpu.memref_slice %arg4[%add3A_80, %dma_start3A_83] : memref<16384x1024xf32, #tpu.memory_space<hbm>> -> memref<8x1024xf32, #tpu.memory_space<hbm>>
      tpu.enqueue_dma source(%arg6 : memref<8x1024xf32, #tpu.memory_space<vmem>>) target(%dma_start3A_84 : memref<8x1024xf32, #tpu.memory_space<hbm>>) target_semaphore(%arg22 : memref<!tpu.dma_semaphore, #tpu.memory_space<semaphore_mem>>)
      %add3A_85 = arith.constant 6 : i32
      %add3A_86 = arith.addi %add3A_72, %add3A_85 : i32
      %lt3A = arith.constant 64 : i32
      %lt3A_87 = arith.cmpi slt, %add3A_86, %lt3A : i32
      %convert_element_type3A = arith.extui %lt3A_87 : i1 to i32
      %cond3A = arith.constant 0 : i32
      %cond3A_88 = arith.cmpi ne, %convert_element_type3A, %cond3A : i32
      scf.if %cond3A_88 {
        %ge3A = arith.constant 2 : i32
        %ge3A_236 = arith.cmpi sge, %add3A_72, %ge3A : i32
        %convert_element_type3A_237 = arith.extui %ge3A_236 : i1 to i32
        %cond3A_238 = arith.constant 0 : i32
        %cond3A_239 = arith.cmpi ne, %convert_element_type3A_237, %cond3A_238 : i32
        scf.if %cond3A_239 {
          %dma_wait3A_246 = arith.constant 0 : i32
          %dma_wait3A_247 = tpu.memref_slice %arg4[%mul3A_2, %dma_wait3A_246] : memref<16384x1024xf32, #tpu.memory_space<hbm>> -> memref<8x1024xf32, #tpu.memory_space<hbm>>
          %dma_wait3A_248 = arith.constant 0 : i32
          %dma_wait3A_249 = tpu.memref_slice %arg4[%mul3A_2, %dma_wait3A_248] : memref<16384x1024xf32, #tpu.memory_space<hbm>> -> memref<8x1024xf32, #tpu.memory_space<hbm>>
          tpu.wait_dma2 semaphore(%arg28 : memref<!tpu.dma_semaphore, #tpu.memory_space<semaphore_mem>>) src(%arg12 : memref<8x1024xf32, #tpu.memory_space<vmem>>) dst(%dma_wait3A_249 : memref<8x1024xf32, #tpu.memory_space<hbm>>)
        } else {
        }
        %mul3A_240 = arith.constant 8 : i32
        %mul3A_241 = arith.muli %add3A_86, %mul3A_240 : i32
        %dma_start3A_242 = tpu.memref_slice %arg5[%mul3A_241] : memref<512xi32, #tpu.memory_space<vmem>> -> memref<8xi32, #tpu.memory_space<vmem>>
        %dma_start3A_243 = arith.constant 0 : i32
        %dma_start3A_244 = arith.constant 0 : i32
        %dma_start3A_245 = tpu.memref_slice %arg3[%dma_start3A_243, %dma_start3A_244] : memref<36560x1024xf32, #tpu.memory_space<hbm>> -> memref<36560x1024xf32, #tpu.memory_space<hbm>>
        tpu.enqueue_indirect_dma source(%dma_start3A_245 : memref<36560x1024xf32, #tpu.memory_space<hbm>>) target(%arg12 : memref<8x1024xf32, #tpu.memory_space<vmem>>) offsets(%dma_start3A_242 : memref<8xi32, #tpu.memory_space<vmem>>) semaphore(%arg20 : memref<!tpu.dma_semaphore, #tpu.memory_space<semaphore_mem>>)
      } else {
      }
      %add3A_89 = arith.constant 1 : i32
      %add3A_90 = arith.addi %mul3A_70, %add3A_89 : i32
      %dma_wait3A_91 = arith.constant 0 : i32
      %dma_wait3A_92 = tpu.memref_slice %arg5[%dma_wait3A_91] : memref<512xi32, #tpu.memory_space<vmem>> -> memref<8xi32, #tpu.memory_space<vmem>>
      %dma_wait3A_93 = arith.constant 0 : i32
      %dma_wait3A_94 = arith.constant 0 : i32
      %dma_wait3A_95 = tpu.memref_slice %arg3[%dma_wait3A_93, %dma_wait3A_94] : memref<36560x1024xf32, #tpu.memory_space<hbm>> -> memref<36560x1024xf32, #tpu.memory_space<hbm>>
      tpu.wait_indirect_dma semaphore(%arg15 : memref<!tpu.dma_semaphore, #tpu.memory_space<semaphore_mem>>) src(%dma_wait3A_95 : memref<36560x1024xf32, #tpu.memory_space<hbm>>) dst(%arg7 : memref<8x1024xf32, #tpu.memory_space<vmem>>)
      %mul3A_96 = arith.constant 8 : i32
      %mul3A_97 = arith.muli %add3A_90, %mul3A_96 : i32
      %add3A_98 = arith.addi %mul3A_2, %mul3A_97 : i32
      %dma_start3A_99 = arith.constant 0 : i32
      %dma_start3A_100 = tpu.memref_slice %arg4[%add3A_98, %dma_start3A_99] : memref<16384x1024xf32, #tpu.memory_space<hbm>> -> memref<8x1024xf32, #tpu.memory_space<hbm>>
      %dma_start3A_101 = arith.constant 0 : i32
      %dma_start3A_102 = tpu.memref_slice %arg4[%add3A_98, %dma_start3A_101] : memref<16384x1024xf32, #tpu.memory_space<hbm>> -> memref<8x1024xf32, #tpu.memory_space<hbm>>
      tpu.enqueue_dma source(%arg7 : memref<8x1024xf32, #tpu.memory_space<vmem>>) target(%dma_start3A_102 : memref<8x1024xf32, #tpu.memory_space<hbm>>) target_semaphore(%arg23 : memref<!tpu.dma_semaphore, #tpu.memory_space<semaphore_mem>>)
      %add3A_103 = arith.constant 6 : i32
      %add3A_104 = arith.addi %add3A_90, %add3A_103 : i32
      %lt3A_105 = arith.constant 64 : i32
      %lt3A_106 = arith.cmpi slt, %add3A_104, %lt3A_105 : i32
      %convert_element_type3A_107 = arith.extui %lt3A_106 : i1 to i32
      %cond3A_108 = arith.constant 0 : i32
      %cond3A_109 = arith.cmpi ne, %convert_element_type3A_107, %cond3A_108 : i32
      scf.if %cond3A_109 {
        %ge3A = arith.constant 2 : i32
        %ge3A_236 = arith.cmpi sge, %add3A_90, %ge3A : i32
        %convert_element_type3A_237 = arith.extui %ge3A_236 : i1 to i32
        %cond3A_238 = arith.constant 0 : i32
        %cond3A_239 = arith.cmpi ne, %convert_element_type3A_237, %cond3A_238 : i32
        scf.if %cond3A_239 {
          %dma_wait3A_246 = arith.constant 0 : i32
          %dma_wait3A_247 = tpu.memref_slice %arg4[%mul3A_2, %dma_wait3A_246] : memref<16384x1024xf32, #tpu.memory_space<hbm>> -> memref<8x1024xf32, #tpu.memory_space<hbm>>
          %dma_wait3A_248 = arith.constant 0 : i32
          %dma_wait3A_249 = tpu.memref_slice %arg4[%mul3A_2, %dma_wait3A_248] : memref<16384x1024xf32, #tpu.memory_space<hbm>> -> memref<8x1024xf32, #tpu.memory_space<hbm>>
          tpu.wait_dma2 semaphore(%arg29 : memref<!tpu.dma_semaphore, #tpu.memory_space<semaphore_mem>>) src(%arg13 : memref<8x1024xf32, #tpu.memory_space<vmem>>) dst(%dma_wait3A_249 : memref<8x1024xf32, #tpu.memory_space<hbm>>)
        } else {
        }
        %mul3A_240 = arith.constant 8 : i32
        %mul3A_241 = arith.muli %add3A_104, %mul3A_240 : i32
        %dma_start3A_242 = tpu.memref_slice %arg5[%mul3A_241] : memref<512xi32, #tpu.memory_space<vmem>> -> memref<8xi32, #tpu.memory_space<vmem>>
        %dma_start3A_243 = arith.constant 0 : i32
        %dma_start3A_244 = arith.constant 0 : i32
        %dma_start3A_245 = tpu.memref_slice %arg3[%dma_start3A_243, %dma_start3A_244] : memref<36560x1024xf32, #tpu.memory_space<hbm>> -> memref<36560x1024xf32, #tpu.memory_space<hbm>>
        tpu.enqueue_indirect_dma source(%dma_start3A_245 : memref<36560x1024xf32, #tpu.memory_space<hbm>>) target(%arg13 : memref<8x1024xf32, #tpu.memory_space<vmem>>) offsets(%dma_start3A_242 : memref<8xi32, #tpu.memory_space<vmem>>) semaphore(%arg21 : memref<!tpu.dma_semaphore, #tpu.memory_space<semaphore_mem>>)
      } else {
      }
      %add3A_110 = arith.constant 2 : i32
      %add3A_111 = arith.addi %mul3A_70, %add3A_110 : i32
      %dma_wait3A_112 = arith.constant 0 : i32
      %dma_wait3A_113 = tpu.memref_slice %arg5[%dma_wait3A_112] : memref<512xi32, #tpu.memory_space<vmem>> -> memref<8xi32, #tpu.memory_space<vmem>>
      %dma_wait3A_114 = arith.constant 0 : i32
      %dma_wait3A_115 = arith.constant 0 : i32
      %dma_wait3A_116 = tpu.memref_slice %arg3[%dma_wait3A_114, %dma_wait3A_115] : memref<36560x1024xf32, #tpu.memory_space<hbm>> -> memref<36560x1024xf32, #tpu.memory_space<hbm>>
      tpu.wait_indirect_dma semaphore(%arg16 : memref<!tpu.dma_semaphore, #tpu.memory_space<semaphore_mem>>) src(%dma_wait3A_116 : memref<36560x1024xf32, #tpu.memory_space<hbm>>) dst(%arg8 : memref<8x1024xf32, #tpu.memory_space<vmem>>)
      %mul3A_117 = arith.constant 8 : i32
      %mul3A_118 = arith.muli %add3A_111, %mul3A_117 : i32
      %add3A_119 = arith.addi %mul3A_2, %mul3A_118 : i32
      %dma_start3A_120 = arith.constant 0 : i32
      %dma_start3A_121 = tpu.memref_slice %arg4[%add3A_119, %dma_start3A_120] : memref<16384x1024xf32, #tpu.memory_space<hbm>> -> memref<8x1024xf32, #tpu.memory_space<hbm>>
      %dma_start3A_122 = arith.constant 0 : i32
      %dma_start3A_123 = tpu.memref_slice %arg4[%add3A_119, %dma_start3A_122] : memref<16384x1024xf32, #tpu.memory_space<hbm>> -> memref<8x1024xf32, #tpu.memory_space<hbm>>
      tpu.enqueue_dma source(%arg8 : memref<8x1024xf32, #tpu.memory_space<vmem>>) target(%dma_start3A_123 : memref<8x1024xf32, #tpu.memory_space<hbm>>) target_semaphore(%arg24 : memref<!tpu.dma_semaphore, #tpu.memory_space<semaphore_mem>>)
      %add3A_124 = arith.constant 6 : i32
      %add3A_125 = arith.addi %add3A_111, %add3A_124 : i32
      %lt3A_126 = arith.constant 64 : i32
      %lt3A_127 = arith.cmpi slt, %add3A_125, %lt3A_126 : i32
      %convert_element_type3A_128 = arith.extui %lt3A_127 : i1 to i32
      %cond3A_129 = arith.constant 0 : i32
      %cond3A_130 = arith.cmpi ne, %convert_element_type3A_128, %cond3A_129 : i32
      scf.if %cond3A_130 {
        %ge3A = arith.constant 2 : i32
        %ge3A_236 = arith.cmpi sge, %add3A_111, %ge3A : i32
        %convert_element_type3A_237 = arith.extui %ge3A_236 : i1 to i32
        %cond3A_238 = arith.constant 0 : i32
        %cond3A_239 = arith.cmpi ne, %convert_element_type3A_237, %cond3A_238 : i32
        scf.if %cond3A_239 {
          %dma_wait3A_246 = arith.constant 0 : i32
          %dma_wait3A_247 = tpu.memref_slice %arg4[%mul3A_2, %dma_wait3A_246] : memref<16384x1024xf32, #tpu.memory_space<hbm>> -> memref<8x1024xf32, #tpu.memory_space<hbm>>
          %dma_wait3A_248 = arith.constant 0 : i32
          %dma_wait3A_249 = tpu.memref_slice %arg4[%mul3A_2, %dma_wait3A_248] : memref<16384x1024xf32, #tpu.memory_space<hbm>> -> memref<8x1024xf32, #tpu.memory_space<hbm>>
          tpu.wait_dma2 semaphore(%arg22 : memref<!tpu.dma_semaphore, #tpu.memory_space<semaphore_mem>>) src(%arg6 : memref<8x1024xf32, #tpu.memory_space<vmem>>) dst(%dma_wait3A_249 : memref<8x1024xf32, #tpu.memory_space<hbm>>)
        } else {
        }
        %mul3A_240 = arith.constant 8 : i32
        %mul3A_241 = arith.muli %add3A_125, %mul3A_240 : i32
        %dma_start3A_242 = tpu.memref_slice %arg5[%mul3A_241] : memref<512xi32, #tpu.memory_space<vmem>> -> memref<8xi32, #tpu.memory_space<vmem>>
        %dma_start3A_243 = arith.constant 0 : i32
        %dma_start3A_244 = arith.constant 0 : i32
        %dma_start3A_245 = tpu.memref_slice %arg3[%dma_start3A_243, %dma_start3A_244] : memref<36560x1024xf32, #tpu.memory_space<hbm>> -> memref<36560x1024xf32, #tpu.memory_space<hbm>>
        tpu.enqueue_indirect_dma source(%dma_start3A_245 : memref<36560x1024xf32, #tpu.memory_space<hbm>>) target(%arg6 : memref<8x1024xf32, #tpu.memory_space<vmem>>) offsets(%dma_start3A_242 : memref<8xi32, #tpu.memory_space<vmem>>) semaphore(%arg14 : memref<!tpu.dma_semaphore, #tpu.memory_space<semaphore_mem>>)
      } else {
      }
      %add3A_131 = arith.constant 3 : i32
      %add3A_132 = arith.addi %mul3A_70, %add3A_131 : i32
      %dma_wait3A_133 = arith.constant 0 : i32
      %dma_wait3A_134 = tpu.memref_slice %arg5[%dma_wait3A_133] : memref<512xi32, #tpu.memory_space<vmem>> -> memref<8xi32, #tpu.memory_space<vmem>>
      %dma_wait3A_135 = arith.constant 0 : i32
      %dma_wait3A_136 = arith.constant 0 : i32
      %dma_wait3A_137 = tpu.memref_slice %arg3[%dma_wait3A_135, %dma_wait3A_136] : memref<36560x1024xf32, #tpu.memory_space<hbm>> -> memref<36560x1024xf32, #tpu.memory_space<hbm>>
      tpu.wait_indirect_dma semaphore(%arg17 : memref<!tpu.dma_semaphore, #tpu.memory_space<semaphore_mem>>) src(%dma_wait3A_137 : memref<36560x1024xf32, #tpu.memory_space<hbm>>) dst(%arg9 : memref<8x1024xf32, #tpu.memory_space<vmem>>)
      %mul3A_138 = arith.constant 8 : i32
      %mul3A_139 = arith.muli %add3A_132, %mul3A_138 : i32
      %add3A_140 = arith.addi %mul3A_2, %mul3A_139 : i32
      %dma_start3A_141 = arith.constant 0 : i32
      %dma_start3A_142 = tpu.memref_slice %arg4[%add3A_140, %dma_start3A_141] : memref<16384x1024xf32, #tpu.memory_space<hbm>> -> memref<8x1024xf32, #tpu.memory_space<hbm>>
      %dma_start3A_143 = arith.constant 0 : i32
      %dma_start3A_144 = tpu.memref_slice %arg4[%add3A_140, %dma_start3A_143] : memref<16384x1024xf32, #tpu.memory_space<hbm>> -> memref<8x1024xf32, #tpu.memory_space<hbm>>
      tpu.enqueue_dma source(%arg9 : memref<8x1024xf32, #tpu.memory_space<vmem>>) target(%dma_start3A_144 : memref<8x1024xf32, #tpu.memory_space<hbm>>) target_semaphore(%arg25 : memref<!tpu.dma_semaphore, #tpu.memory_space<semaphore_mem>>)
      %add3A_145 = arith.constant 6 : i32
      %add3A_146 = arith.addi %add3A_132, %add3A_145 : i32
      %lt3A_147 = arith.constant 64 : i32
      %lt3A_148 = arith.cmpi slt, %add3A_146, %lt3A_147 : i32
      %convert_element_type3A_149 = arith.extui %lt3A_148 : i1 to i32
      %cond3A_150 = arith.constant 0 : i32
      %cond3A_151 = arith.cmpi ne, %convert_element_type3A_149, %cond3A_150 : i32
      scf.if %cond3A_151 {
        %ge3A = arith.constant 2 : i32
        %ge3A_236 = arith.cmpi sge, %add3A_132, %ge3A : i32
        %convert_element_type3A_237 = arith.extui %ge3A_236 : i1 to i32
        %cond3A_238 = arith.constant 0 : i32
        %cond3A_239 = arith.cmpi ne, %convert_element_type3A_237, %cond3A_238 : i32
        scf.if %cond3A_239 {
          %dma_wait3A_246 = arith.constant 0 : i32
          %dma_wait3A_247 = tpu.memref_slice %arg4[%mul3A_2, %dma_wait3A_246] : memref<16384x1024xf32, #tpu.memory_space<hbm>> -> memref<8x1024xf32, #tpu.memory_space<hbm>>
          %dma_wait3A_248 = arith.constant 0 : i32
          %dma_wait3A_249 = tpu.memref_slice %arg4[%mul3A_2, %dma_wait3A_248] : memref<16384x1024xf32, #tpu.memory_space<hbm>> -> memref<8x1024xf32, #tpu.memory_space<hbm>>
          tpu.wait_dma2 semaphore(%arg23 : memref<!tpu.dma_semaphore, #tpu.memory_space<semaphore_mem>>) src(%arg7 : memref<8x1024xf32, #tpu.memory_space<vmem>>) dst(%dma_wait3A_249 : memref<8x1024xf32, #tpu.memory_space<hbm>>)
        } else {
        }
        %mul3A_240 = arith.constant 8 : i32
        %mul3A_241 = arith.muli %add3A_146, %mul3A_240 : i32
        %dma_start3A_242 = tpu.memref_slice %arg5[%mul3A_241] : memref<512xi32, #tpu.memory_space<vmem>> -> memref<8xi32, #tpu.memory_space<vmem>>
        %dma_start3A_243 = arith.constant 0 : i32
        %dma_start3A_244 = arith.constant 0 : i32
        %dma_start3A_245 = tpu.memref_slice %arg3[%dma_start3A_243, %dma_start3A_244] : memref<36560x1024xf32, #tpu.memory_space<hbm>> -> memref<36560x1024xf32, #tpu.memory_space<hbm>>
        tpu.enqueue_indirect_dma source(%dma_start3A_245 : memref<36560x1024xf32, #tpu.memory_space<hbm>>) target(%arg7 : memref<8x1024xf32, #tpu.memory_space<vmem>>) offsets(%dma_start3A_242 : memref<8xi32, #tpu.memory_space<vmem>>) semaphore(%arg15 : memref<!tpu.dma_semaphore, #tpu.memory_space<semaphore_mem>>)
      } else {
      }
      %add3A_152 = arith.constant 4 : i32
      %add3A_153 = arith.addi %mul3A_70, %add3A_152 : i32
      %dma_wait3A_154 = arith.constant 0 : i32
      %dma_wait3A_155 = tpu.memref_slice %arg5[%dma_wait3A_154] : memref<512xi32, #tpu.memory_space<vmem>> -> memref<8xi32, #tpu.memory_space<vmem>>
      %dma_wait3A_156 = arith.constant 0 : i32
      %dma_wait3A_157 = arith.constant 0 : i32
      %dma_wait3A_158 = tpu.memref_slice %arg3[%dma_wait3A_156, %dma_wait3A_157] : memref<36560x1024xf32, #tpu.memory_space<hbm>> -> memref<36560x1024xf32, #tpu.memory_space<hbm>>
      tpu.wait_indirect_dma semaphore(%arg18 : memref<!tpu.dma_semaphore, #tpu.memory_space<semaphore_mem>>) src(%dma_wait3A_158 : memref<36560x1024xf32, #tpu.memory_space<hbm>>) dst(%arg10 : memref<8x1024xf32, #tpu.memory_space<vmem>>)
      %mul3A_159 = arith.constant 8 : i32
      %mul3A_160 = arith.muli %add3A_153, %mul3A_159 : i32
      %add3A_161 = arith.addi %mul3A_2, %mul3A_160 : i32
      %dma_start3A_162 = arith.constant 0 : i32
      %dma_start3A_163 = tpu.memref_slice %arg4[%add3A_161, %dma_start3A_162] : memref<16384x1024xf32, #tpu.memory_space<hbm>> -> memref<8x1024xf32, #tpu.memory_space<hbm>>
      %dma_start3A_164 = arith.constant 0 : i32
      %dma_start3A_165 = tpu.memref_slice %arg4[%add3A_161, %dma_start3A_164] : memref<16384x1024xf32, #tpu.memory_space<hbm>> -> memref<8x1024xf32, #tpu.memory_space<hbm>>
      tpu.enqueue_dma source(%arg10 : memref<8x1024xf32, #tpu.memory_space<vmem>>) target(%dma_start3A_165 : memref<8x1024xf32, #tpu.memory_space<hbm>>) target_semaphore(%arg26 : memref<!tpu.dma_semaphore, #tpu.memory_space<semaphore_mem>>)
      %add3A_166 = arith.constant 6 : i32
      %add3A_167 = arith.addi %add3A_153, %add3A_166 : i32
      %lt3A_168 = arith.constant 64 : i32
      %lt3A_169 = arith.cmpi slt, %add3A_167, %lt3A_168 : i32
      %convert_element_type3A_170 = arith.extui %lt3A_169 : i1 to i32
      %cond3A_171 = arith.constant 0 : i32
      %cond3A_172 = arith.cmpi ne, %convert_element_type3A_170, %cond3A_171 : i32
      scf.if %cond3A_172 {
        %ge3A = arith.constant 2 : i32
        %ge3A_236 = arith.cmpi sge, %add3A_153, %ge3A : i32
        %convert_element_type3A_237 = arith.extui %ge3A_236 : i1 to i32
        %cond3A_238 = arith.constant 0 : i32
        %cond3A_239 = arith.cmpi ne, %convert_element_type3A_237, %cond3A_238 : i32
        scf.if %cond3A_239 {
          %dma_wait3A_246 = arith.constant 0 : i32
          %dma_wait3A_247 = tpu.memref_slice %arg4[%mul3A_2, %dma_wait3A_246] : memref<16384x1024xf32, #tpu.memory_space<hbm>> -> memref<8x1024xf32, #tpu.memory_space<hbm>>
          %dma_wait3A_248 = arith.constant 0 : i32
          %dma_wait3A_249 = tpu.memref_slice %arg4[%mul3A_2, %dma_wait3A_248] : memref<16384x1024xf32, #tpu.memory_space<hbm>> -> memref<8x1024xf32, #tpu.memory_space<hbm>>
          tpu.wait_dma2 semaphore(%arg24 : memref<!tpu.dma_semaphore, #tpu.memory_space<semaphore_mem>>) src(%arg8 : memref<8x1024xf32, #tpu.memory_space<vmem>>) dst(%dma_wait3A_249 : memref<8x1024xf32, #tpu.memory_space<hbm>>)
        } else {
        }
        %mul3A_240 = arith.constant 8 : i32
        %mul3A_241 = arith.muli %add3A_167, %mul3A_240 : i32
        %dma_start3A_242 = tpu.memref_slice %arg5[%mul3A_241] : memref<512xi32, #tpu.memory_space<vmem>> -> memref<8xi32, #tpu.memory_space<vmem>>
        %dma_start3A_243 = arith.constant 0 : i32
        %dma_start3A_244 = arith.constant 0 : i32
        %dma_start3A_245 = tpu.memref_slice %arg3[%dma_start3A_243, %dma_start3A_244] : memref<36560x1024xf32, #tpu.memory_space<hbm>> -> memref<36560x1024xf32, #tpu.memory_space<hbm>>
        tpu.enqueue_indirect_dma source(%dma_start3A_245 : memref<36560x1024xf32, #tpu.memory_space<hbm>>) target(%arg8 : memref<8x1024xf32, #tpu.memory_space<vmem>>) offsets(%dma_start3A_242 : memref<8xi32, #tpu.memory_space<vmem>>) semaphore(%arg16 : memref<!tpu.dma_semaphore, #tpu.memory_space<semaphore_mem>>)
      } else {
      }
      %add3A_173 = arith.constant 5 : i32
      %add3A_174 = arith.addi %mul3A_70, %add3A_173 : i32
      %dma_wait3A_175 = arith.constant 0 : i32
      %dma_wait3A_176 = tpu.memref_slice %arg5[%dma_wait3A_175] : memref<512xi32, #tpu.memory_space<vmem>> -> memref<8xi32, #tpu.memory_space<vmem>>
      %dma_wait3A_177 = arith.constant 0 : i32
      %dma_wait3A_178 = arith.constant 0 : i32
      %dma_wait3A_179 = tpu.memref_slice %arg3[%dma_wait3A_177, %dma_wait3A_178] : memref<36560x1024xf32, #tpu.memory_space<hbm>> -> memref<36560x1024xf32, #tpu.memory_space<hbm>>
      tpu.wait_indirect_dma semaphore(%arg19 : memref<!tpu.dma_semaphore, #tpu.memory_space<semaphore_mem>>) src(%dma_wait3A_179 : memref<36560x1024xf32, #tpu.memory_space<hbm>>) dst(%arg11 : memref<8x1024xf32, #tpu.memory_space<vmem>>)
      %mul3A_180 = arith.constant 8 : i32
      %mul3A_181 = arith.muli %add3A_174, %mul3A_180 : i32
      %add3A_182 = arith.addi %mul3A_2, %mul3A_181 : i32
      %dma_start3A_183 = arith.constant 0 : i32
      %dma_start3A_184 = tpu.memref_slice %arg4[%add3A_182, %dma_start3A_183] : memref<16384x1024xf32, #tpu.memory_space<hbm>> -> memref<8x1024xf32, #tpu.memory_space<hbm>>
      %dma_start3A_185 = arith.constant 0 : i32
      %dma_start3A_186 = tpu.memref_slice %arg4[%add3A_182, %dma_start3A_185] : memref<16384x1024xf32, #tpu.memory_space<hbm>> -> memref<8x1024xf32, #tpu.memory_space<hbm>>
      tpu.enqueue_dma source(%arg11 : memref<8x1024xf32, #tpu.memory_space<vmem>>) target(%dma_start3A_186 : memref<8x1024xf32, #tpu.memory_space<hbm>>) target_semaphore(%arg27 : memref<!tpu.dma_semaphore, #tpu.memory_space<semaphore_mem>>)
      %add3A_187 = arith.constant 6 : i32
      %add3A_188 = arith.addi %add3A_174, %add3A_187 : i32
      %lt3A_189 = arith.constant 64 : i32
      %lt3A_190 = arith.cmpi slt, %add3A_188, %lt3A_189 : i32
      %convert_element_type3A_191 = arith.extui %lt3A_190 : i1 to i32
      %cond3A_192 = arith.constant 0 : i32
      %cond3A_193 = arith.cmpi ne, %convert_element_type3A_191, %cond3A_192 : i32
      scf.if %cond3A_193 {
        %ge3A = arith.constant 2 : i32
        %ge3A_236 = arith.cmpi sge, %add3A_174, %ge3A : i32
        %convert_element_type3A_237 = arith.extui %ge3A_236 : i1 to i32
        %cond3A_238 = arith.constant 0 : i32
        %cond3A_239 = arith.cmpi ne, %convert_element_type3A_237, %cond3A_238 : i32
        scf.if %cond3A_239 {
          %dma_wait3A_246 = arith.constant 0 : i32
          %dma_wait3A_247 = tpu.memref_slice %arg4[%mul3A_2, %dma_wait3A_246] : memref<16384x1024xf32, #tpu.memory_space<hbm>> -> memref<8x1024xf32, #tpu.memory_space<hbm>>
          %dma_wait3A_248 = arith.constant 0 : i32
          %dma_wait3A_249 = tpu.memref_slice %arg4[%mul3A_2, %dma_wait3A_248] : memref<16384x1024xf32, #tpu.memory_space<hbm>> -> memref<8x1024xf32, #tpu.memory_space<hbm>>
          tpu.wait_dma2 semaphore(%arg25 : memref<!tpu.dma_semaphore, #tpu.memory_space<semaphore_mem>>) src(%arg9 : memref<8x1024xf32, #tpu.memory_space<vmem>>) dst(%dma_wait3A_249 : memref<8x1024xf32, #tpu.memory_space<hbm>>)
        } else {
        }
        %mul3A_240 = arith.constant 8 : i32
        %mul3A_241 = arith.muli %add3A_188, %mul3A_240 : i32
        %dma_start3A_242 = tpu.memref_slice %arg5[%mul3A_241] : memref<512xi32, #tpu.memory_space<vmem>> -> memref<8xi32, #tpu.memory_space<vmem>>
        %dma_start3A_243 = arith.constant 0 : i32
        %dma_start3A_244 = arith.constant 0 : i32
        %dma_start3A_245 = tpu.memref_slice %arg3[%dma_start3A_243, %dma_start3A_244] : memref<36560x1024xf32, #tpu.memory_space<hbm>> -> memref<36560x1024xf32, #tpu.memory_space<hbm>>
        tpu.enqueue_indirect_dma source(%dma_start3A_245 : memref<36560x1024xf32, #tpu.memory_space<hbm>>) target(%arg9 : memref<8x1024xf32, #tpu.memory_space<vmem>>) offsets(%dma_start3A_242 : memref<8xi32, #tpu.memory_space<vmem>>) semaphore(%arg17 : memref<!tpu.dma_semaphore, #tpu.memory_space<semaphore_mem>>)
      } else {
      }
      %add3A_194 = arith.constant 6 : i32
      %add3A_195 = arith.addi %mul3A_70, %add3A_194 : i32
      %dma_wait3A_196 = arith.constant 0 : i32
      %dma_wait3A_197 = tpu.memref_slice %arg5[%dma_wait3A_196] : memref<512xi32, #tpu.memory_space<vmem>> -> memref<8xi32, #tpu.memory_space<vmem>>
      %dma_wait3A_198 = arith.constant 0 : i32
      %dma_wait3A_199 = arith.constant 0 : i32
      %dma_wait3A_200 = tpu.memref_slice %arg3[%dma_wait3A_198, %dma_wait3A_199] : memref<36560x1024xf32, #tpu.memory_space<hbm>> -> memref<36560x1024xf32, #tpu.memory_space<hbm>>
      tpu.wait_indirect_dma semaphore(%arg20 : memref<!tpu.dma_semaphore, #tpu.memory_space<semaphore_mem>>) src(%dma_wait3A_200 : memref<36560x1024xf32, #tpu.memory_space<hbm>>) dst(%arg12 : memref<8x1024xf32, #tpu.memory_space<vmem>>)
      %mul3A_201 = arith.constant 8 : i32
      %mul3A_202 = arith.muli %add3A_195, %mul3A_201 : i32
      %add3A_203 = arith.addi %mul3A_2, %mul3A_202 : i32
      %dma_start3A_204 = arith.constant 0 : i32
      %dma_start3A_205 = tpu.memref_slice %arg4[%add3A_203, %dma_start3A_204] : memref<16384x1024xf32, #tpu.memory_space<hbm>> -> memref<8x1024xf32, #tpu.memory_space<hbm>>
      %dma_start3A_206 = arith.constant 0 : i32
      %dma_start3A_207 = tpu.memref_slice %arg4[%add3A_203, %dma_start3A_206] : memref<16384x1024xf32, #tpu.memory_space<hbm>> -> memref<8x1024xf32, #tpu.memory_space<hbm>>
      tpu.enqueue_dma source(%arg12 : memref<8x1024xf32, #tpu.memory_space<vmem>>) target(%dma_start3A_207 : memref<8x1024xf32, #tpu.memory_space<hbm>>) target_semaphore(%arg28 : memref<!tpu.dma_semaphore, #tpu.memory_space<semaphore_mem>>)
      %add3A_208 = arith.constant 6 : i32
      %add3A_209 = arith.addi %add3A_195, %add3A_208 : i32
      %lt3A_210 = arith.constant 64 : i32
      %lt3A_211 = arith.cmpi slt, %add3A_209, %lt3A_210 : i32
      %convert_element_type3A_212 = arith.extui %lt3A_211 : i1 to i32
      %cond3A_213 = arith.constant 0 : i32
      %cond3A_214 = arith.cmpi ne, %convert_element_type3A_212, %cond3A_213 : i32
      scf.if %cond3A_214 {
        %ge3A = arith.constant 2 : i32
        %ge3A_236 = arith.cmpi sge, %add3A_195, %ge3A : i32
        %convert_element_type3A_237 = arith.extui %ge3A_236 : i1 to i32
        %cond3A_238 = arith.constant 0 : i32
        %cond3A_239 = arith.cmpi ne, %convert_element_type3A_237, %cond3A_238 : i32
        scf.if %cond3A_239 {
          %dma_wait3A_246 = arith.constant 0 : i32
          %dma_wait3A_247 = tpu.memref_slice %arg4[%mul3A_2, %dma_wait3A_246] : memref<16384x1024xf32, #tpu.memory_space<hbm>> -> memref<8x1024xf32, #tpu.memory_space<hbm>>
          %dma_wait3A_248 = arith.constant 0 : i32
          %dma_wait3A_249 = tpu.memref_slice %arg4[%mul3A_2, %dma_wait3A_248] : memref<16384x1024xf32, #tpu.memory_space<hbm>> -> memref<8x1024xf32, #tpu.memory_space<hbm>>
          tpu.wait_dma2 semaphore(%arg26 : memref<!tpu.dma_semaphore, #tpu.memory_space<semaphore_mem>>) src(%arg10 : memref<8x1024xf32, #tpu.memory_space<vmem>>) dst(%dma_wait3A_249 : memref<8x1024xf32, #tpu.memory_space<hbm>>)
        } else {
        }
        %mul3A_240 = arith.constant 8 : i32
        %mul3A_241 = arith.muli %add3A_209, %mul3A_240 : i32
        %dma_start3A_242 = tpu.memref_slice %arg5[%mul3A_241] : memref<512xi32, #tpu.memory_space<vmem>> -> memref<8xi32, #tpu.memory_space<vmem>>
        %dma_start3A_243 = arith.constant 0 : i32
        %dma_start3A_244 = arith.constant 0 : i32
        %dma_start3A_245 = tpu.memref_slice %arg3[%dma_start3A_243, %dma_start3A_244] : memref<36560x1024xf32, #tpu.memory_space<hbm>> -> memref<36560x1024xf32, #tpu.memory_space<hbm>>
        tpu.enqueue_indirect_dma source(%dma_start3A_245 : memref<36560x1024xf32, #tpu.memory_space<hbm>>) target(%arg10 : memref<8x1024xf32, #tpu.memory_space<vmem>>) offsets(%dma_start3A_242 : memref<8xi32, #tpu.memory_space<vmem>>) semaphore(%arg18 : memref<!tpu.dma_semaphore, #tpu.memory_space<semaphore_mem>>)
      } else {
      }
      %add3A_215 = arith.constant 7 : i32
      %add3A_216 = arith.addi %mul3A_70, %add3A_215 : i32
      %dma_wait3A_217 = arith.constant 0 : i32
      %dma_wait3A_218 = tpu.memref_slice %arg5[%dma_wait3A_217] : memref<512xi32, #tpu.memory_space<vmem>> -> memref<8xi32, #tpu.memory_space<vmem>>
      %dma_wait3A_219 = arith.constant 0 : i32
      %dma_wait3A_220 = arith.constant 0 : i32
      %dma_wait3A_221 = tpu.memref_slice %arg3[%dma_wait3A_219, %dma_wait3A_220] : memref<36560x1024xf32, #tpu.memory_space<hbm>> -> memref<36560x1024xf32, #tpu.memory_space<hbm>>
      tpu.wait_indirect_dma semaphore(%arg21 : memref<!tpu.dma_semaphore, #tpu.memory_space<semaphore_mem>>) src(%dma_wait3A_221 : memref<36560x1024xf32, #tpu.memory_space<hbm>>) dst(%arg13 : memref<8x1024xf32, #tpu.memory_space<vmem>>)
      %mul3A_222 = arith.constant 8 : i32
      %mul3A_223 = arith.muli %add3A_216, %mul3A_222 : i32
      %add3A_224 = arith.addi %mul3A_2, %mul3A_223 : i32
      %dma_start3A_225 = arith.constant 0 : i32
      %dma_start3A_226 = tpu.memref_slice %arg4[%add3A_224, %dma_start3A_225] : memref<16384x1024xf32, #tpu.memory_space<hbm>> -> memref<8x1024xf32, #tpu.memory_space<hbm>>
      %dma_start3A_227 = arith.constant 0 : i32
      %dma_start3A_228 = tpu.memref_slice %arg4[%add3A_224, %dma_start3A_227] : memref<16384x1024xf32, #tpu.memory_space<hbm>> -> memref<8x1024xf32, #tpu.memory_space<hbm>>
      tpu.enqueue_dma source(%arg13 : memref<8x1024xf32, #tpu.memory_space<vmem>>) target(%dma_start3A_228 : memref<8x1024xf32, #tpu.memory_space<hbm>>) target_semaphore(%arg29 : memref<!tpu.dma_semaphore, #tpu.memory_space<semaphore_mem>>)
      %add3A_229 = arith.constant 6 : i32
      %add3A_230 = arith.addi %add3A_216, %add3A_229 : i32
      %lt3A_231 = arith.constant 64 : i32
      %lt3A_232 = arith.cmpi slt, %add3A_230, %lt3A_231 : i32
      %convert_element_type3A_233 = arith.extui %lt3A_232 : i1 to i32
      %cond3A_234 = arith.constant 0 : i32
      %cond3A_235 = arith.cmpi ne, %convert_element_type3A_233, %cond3A_234 : i32
      scf.if %cond3A_235 {
        %ge3A = arith.constant 2 : i32
        %ge3A_236 = arith.cmpi sge, %add3A_216, %ge3A : i32
        %convert_element_type3A_237 = arith.extui %ge3A_236 : i1 to i32
        %cond3A_238 = arith.constant 0 : i32
        %cond3A_239 = arith.cmpi ne, %convert_element_type3A_237, %cond3A_238 : i32
        scf.if %cond3A_239 {
          %dma_wait3A_246 = arith.constant 0 : i32
          %dma_wait3A_247 = tpu.memref_slice %arg4[%mul3A_2, %dma_wait3A_246] : memref<16384x1024xf32, #tpu.memory_space<hbm>> -> memref<8x1024xf32, #tpu.memory_space<hbm>>
          %dma_wait3A_248 = arith.constant 0 : i32
          %dma_wait3A_249 = tpu.memref_slice %arg4[%mul3A_2, %dma_wait3A_248] : memref<16384x1024xf32, #tpu.memory_space<hbm>> -> memref<8x1024xf32, #tpu.memory_space<hbm>>
          tpu.wait_dma2 semaphore(%arg27 : memref<!tpu.dma_semaphore, #tpu.memory_space<semaphore_mem>>) src(%arg11 : memref<8x1024xf32, #tpu.memory_space<vmem>>) dst(%dma_wait3A_249 : memref<8x1024xf32, #tpu.memory_space<hbm>>)
        } else {
        }
        %mul3A_240 = arith.constant 8 : i32
        %mul3A_241 = arith.muli %add3A_230, %mul3A_240 : i32
        %dma_start3A_242 = tpu.memref_slice %arg5[%mul3A_241] : memref<512xi32, #tpu.memory_space<vmem>> -> memref<8xi32, #tpu.memory_space<vmem>>
        %dma_start3A_243 = arith.constant 0 : i32
        %dma_start3A_244 = arith.constant 0 : i32
        %dma_start3A_245 = tpu.memref_slice %arg3[%dma_start3A_243, %dma_start3A_244] : memref<36560x1024xf32, #tpu.memory_space<hbm>> -> memref<36560x1024xf32, #tpu.memory_space<hbm>>
        tpu.enqueue_indirect_dma source(%dma_start3A_245 : memref<36560x1024xf32, #tpu.memory_space<hbm>>) target(%arg11 : memref<8x1024xf32, #tpu.memory_space<vmem>>) offsets(%dma_start3A_242 : memref<8xi32, #tpu.memory_space<vmem>>) semaphore(%arg19 : memref<!tpu.dma_semaphore, #tpu.memory_space<semaphore_mem>>)
      } else {
      }
    }
    %scan3A_36 = arith.constant 8 : i32
    %dma_wait3A = arith.constant 0 : i32
    %dma_wait3A_37 = tpu.memref_slice %arg4[%mul3A_2, %dma_wait3A] : memref<16384x1024xf32, #tpu.memory_space<hbm>> -> memref<8x1024xf32, #tpu.memory_space<hbm>>
    %dma_wait3A_38 = arith.constant 0 : i32
    %dma_wait3A_39 = tpu.memref_slice %arg4[%mul3A_2, %dma_wait3A_38] : memref<16384x1024xf32, #tpu.memory_space<hbm>> -> memref<8x1024xf32, #tpu.memory_space<hbm>>
    tpu.wait_dma2 semaphore(%arg22 : memref<!tpu.dma_semaphore, #tpu.memory_space<semaphore_mem>>) src(%arg6 : memref<8x1024xf32, #tpu.memory_space<vmem>>) dst(%dma_wait3A_39 : memref<8x1024xf32, #tpu.memory_space<hbm>>)
    %dma_wait3A_40 = arith.constant 0 : i32
    %dma_wait3A_41 = tpu.memref_slice %arg4[%mul3A_2, %dma_wait3A_40] : memref<16384x1024xf32, #tpu.memory_space<hbm>> -> memref<8x1024xf32, #tpu.memory_space<hbm>>
    %dma_wait3A_42 = arith.constant 0 : i32
    %dma_wait3A_43 = tpu.memref_slice %arg4[%mul3A_2, %dma_wait3A_42] : memref<16384x1024xf32, #tpu.memory_space<hbm>> -> memref<8x1024xf32, #tpu.memory_space<hbm>>
    tpu.wait_dma2 semaphore(%arg23 : memref<!tpu.dma_semaphore, #tpu.memory_space<semaphore_mem>>) src(%arg7 : memref<8x1024xf32, #tpu.memory_space<vmem>>) dst(%dma_wait3A_43 : memref<8x1024xf32, #tpu.memory_space<hbm>>)
    %dma_wait3A_44 = arith.constant 0 : i32
    %dma_wait3A_45 = tpu.memref_slice %arg4[%mul3A_2, %dma_wait3A_44] : memref<16384x1024xf32, #tpu.memory_space<hbm>> -> memref<8x1024xf32, #tpu.memory_space<hbm>>
    %dma_wait3A_46 = arith.constant 0 : i32
    %dma_wait3A_47 = tpu.memref_slice %arg4[%mul3A_2, %dma_wait3A_46] : memref<16384x1024xf32, #tpu.memory_space<hbm>> -> memref<8x1024xf32, #tpu.memory_space<hbm>>
    tpu.wait_dma2 semaphore(%arg24 : memref<!tpu.dma_semaphore, #tpu.memory_space<semaphore_mem>>) src(%arg8 : memref<8x1024xf32, #tpu.memory_space<vmem>>) dst(%dma_wait3A_47 : memref<8x1024xf32, #tpu.memory_space<hbm>>)
    %dma_wait3A_48 = arith.constant 0 : i32
    %dma_wait3A_49 = tpu.memref_slice %arg4[%mul3A_2, %dma_wait3A_48] : memref<16384x1024xf32, #tpu.memory_space<hbm>> -> memref<8x1024xf32, #tpu.memory_space<hbm>>
    %dma_wait3A_50 = arith.constant 0 : i32
    %dma_wait3A_51 = tpu.memref_slice %arg4[%mul3A_2, %dma_wait3A_50] : memref<16384x1024xf32, #tpu.memory_space<hbm>> -> memref<8x1024xf32, #tpu.memory_space<hbm>>
    tpu.wait_dma2 semaphore(%arg25 : memref<!tpu.dma_semaphore, #tpu.memory_space<semaphore_mem>>) src(%arg9 : memref<8x1024xf32, #tpu.memory_space<vmem>>) dst(%dma_wait3A_51 : memref<8x1024xf32, #tpu.memory_space<hbm>>)
    %dma_wait3A_52 = arith.constant 0 : i32
    %dma_wait3A_53 = tpu.memref_slice %arg4[%mul3A_2, %dma_wait3A_52] : memref<16384x1024xf32, #tpu.memory_space<hbm>> -> memref<8x1024xf32, #tpu.memory_space<hbm>>
    %dma_wait3A_54 = arith.constant 0 : i32
    %dma_wait3A_55 = tpu.memref_slice %arg4[%mul3A_2, %dma_wait3A_54] : memref<16384x1024xf32, #tpu.memory_space<hbm>> -> memref<8x1024xf32, #tpu.memory_space<hbm>>
    tpu.wait_dma2 semaphore(%arg26 : memref<!tpu.dma_semaphore, #tpu.memory_space<semaphore_mem>>) src(%arg10 : memref<8x1024xf32, #tpu.memory_space<vmem>>) dst(%dma_wait3A_55 : memref<8x1024xf32, #tpu.memory_space<hbm>>)
    %dma_wait3A_56 = arith.constant 0 : i32
    %dma_wait3A_57 = tpu.memref_slice %arg4[%mul3A_2, %dma_wait3A_56] : memref<16384x1024xf32, #tpu.memory_space<hbm>> -> memref<8x1024xf32, #tpu.memory_space<hbm>>
    %dma_wait3A_58 = arith.constant 0 : i32
    %dma_wait3A_59 = tpu.memref_slice %arg4[%mul3A_2, %dma_wait3A_58] : memref<16384x1024xf32, #tpu.memory_space<hbm>> -> memref<8x1024xf32, #tpu.memory_space<hbm>>
    tpu.wait_dma2 semaphore(%arg27 : memref<!tpu.dma_semaphore, #tpu.memory_space<semaphore_mem>>) src(%arg11 : memref<8x1024xf32, #tpu.memory_space<vmem>>) dst(%dma_wait3A_59 : memref<8x1024xf32, #tpu.memory_space<hbm>>)
    %dma_wait3A_60 = arith.constant 0 : i32
    %dma_wait3A_61 = tpu.memref_slice %arg4[%mul3A_2, %dma_wait3A_60] : memref<16384x1024xf32, #tpu.memory_space<hbm>> -> memref<8x1024xf32, #tpu.memory_space<hbm>>
    %dma_wait3A_62 = arith.constant 0 : i32
    %dma_wait3A_63 = tpu.memref_slice %arg4[%mul3A_2, %dma_wait3A_62] : memref<16384x1024xf32, #tpu.memory_space<hbm>> -> memref<8x1024xf32, #tpu.memory_space<hbm>>
    tpu.wait_dma2 semaphore(%arg28 : memref<!tpu.dma_semaphore, #tpu.memory_space<semaphore_mem>>) src(%arg12 : memref<8x1024xf32, #tpu.memory_space<vmem>>) dst(%dma_wait3A_63 : memref<8x1024xf32, #tpu.memory_space<hbm>>)
    %dma_wait3A_64 = arith.constant 0 : i32
    %dma_wait3A_65 = tpu.memref_slice %arg4[%mul3A_2, %dma_wait3A_64] : memref<16384x1024xf32, #tpu.memory_space<hbm>> -> memref<8x1024xf32, #tpu.memory_space<hbm>>
    %dma_wait3A_66 = arith.constant 0 : i32
    %dma_wait3A_67 = tpu.memref_slice %arg4[%mul3A_2, %dma_wait3A_66] : memref<16384x1024xf32, #tpu.memory_space<hbm>> -> memref<8x1024xf32, #tpu.memory_space<hbm>>
    tpu.wait_dma2 semaphore(%arg29 : memref<!tpu.dma_semaphore, #tpu.memory_space<semaphore_mem>>) src(%arg13 : memref<8x1024xf32, #tpu.memory_space<vmem>>) dst(%dma_wait3A_67 : memref<8x1024xf32, #tpu.memory_space<hbm>>)
    return
  }
}

</mosaic_0001>

<sc_bundles>
// kernel: kernel.3.cloned.1.call-start
scs
__scs_entry_jumppad:
0x0: {  	(pc) =	sbr.rel $0x88, $3  }
0x1: {  	(tag) =	ssettag $0x0;
	lr =	simm.s32 $0x1  }
0x2: {  	[smem:$0x3F9F] =	sst lr;
	_ =	strace $0xD0000000  }
0x3: {  	_ = 	snop  }
0x4: {  	_ = 	snop  }
0x5: {  	_ = 	snop  }
0x6: {  	_ = 	snop  }
0x7: {  	_ = 	snop  }
__scs_overlays_trampoline_lowered:
0x8: {  	[smem:$0x3FAE] =	sst s0  }
0x9: {  	[smem:$0x3FAF] =	sst s1  }
0xa: {  	[smem:$0x3FB0] =	sst s2  }
0xb: {  	[smem:$0x3FB1] =	sst s3  }
0xc: {  	[smem:$0x3FB2] =	sst s4  }
0xd: {  	[smem:$0x3FB3] =	sst s5  }
0xe: {  	[smem:$0x3FB4] =	sst s6  }
0xf: {  	[smem:$0x3FB5] =	sst s7  }
0x10: {  	[smem:$0x3FB6] =	sst s8  }
0x11: {  	[smem:$0x3FB7] =	sst s9;
	s0 =	simm.s32 @!p0 $0x0  }
0x12: {  	s1 =	sld [smem:$0x3F9D];
	s0 =	simm.s32 @p0 $0x1  }
0x13: {  	[smem:$0x3FB8] =	sst s0;
	s0 =	simm.s32 @!p1 $0x0  }
0x14: {  	s2 =	sld [smem:$0x3F9C];
	s0 =	simm.s32 @p1 $0x1  }
0x15: {  	[smem:$0x3FB9] =	sst s0;
	s0 =	simm.s32 @!p2 $0x0  }
0x16: {  	s3 =	sld [smem:$0x3FDB];
	s0 =	simm.s32 @p2 $0x1  }
0x17: {  	s4 =	simm.s32 $0x1BF5;
	[smem:$0x3FBB] =	sst s0  }
0x18: {  	s0 =	sld [smem:$0x3F9E];
	_ =	swait.ge [sflag:s4], $0x0  }
0x19: {  	s7 =	sld [smem:$0x3F9F]  }
0x1a: {  	s8 =	sadd.s32 $0xFFFFE003, lr  }
0x1b: {  	s9 =	sadd.s32 $0xFFFFFEF7, lr;
	s5 =	simm.s32 $0xFFFFFFFF;
	p2 =	slt.u32 s8, $0xFFFFF086  }
0x1c: {  	p1 =	slt.u32 s9, $0xF7A;
	s5 =	simm.s32 @!p2 $0x0  }
0x1d: {  	s5 =	simm.s32 @p1 $0x1;
	p0 =	seq.s32 s7, s2  }
0x1e: {  	s7 =	smul.u32 @!p0 $0xF7A, s2;
	p2 =	seq.s32 @!p0 s5, $0x0  }
0x1f: {  	s9 =	smul.u32 $0xF7A, s1;
	s8 =	simm.s32 @!p0 $0x1BF5;
	p2 =	por !p2, p0  }
0x20: {  	[sflag:s8] =	ssyncset.s32 @!p0 $0xFFFFF086;
	s6 =	sadd.s32 @!p0 s3, s7;
	s7 =	simm.s32 @!p0 $0x108  }
0x21: {  	s3 =	sadd.s32 s3, s9;
	s6 =	sadd.s32 @!p0 $0x88, s6;
	s7 =	simm.s32 @p2 $0x1082  }
0x22: {  	[simem:s7], [sflag:s8] =	dma.local @!p0 [hbm:s6], $0xF7A  }
0x23: {  	s9 =	sor.u32 $0xD0000000, s2;
	s6 =	simm.s32 $0x108;
	_ =	swait.ge @!p0 [sflag:s8], $0x0  }
0x24: {  	s3 =	sadd.s32 $0x88, s3;
	s6 =	simm.s32 @!p1 $0x1082;
	[sflag:s4] =	ssyncset.s32 $0xFFFFF086  }
0x25: {  	[simem:s6], [sflag:s4] =	dma.local [hbm:s3], $0xF7A  }
0x26: {  	[smem:$0x3F9F] =	sst s1;
	(tag) =	ssettag s2;
	_ =	strace s9  }
0x27: {  	s1 =	sld [smem:$0x3FAF]  }
0x28: {  	s2 =	sld [smem:$0x3FB0]  }
0x29: {  	s4 =	sld [smem:$0x3FB2]  }
0x2a: {  	p0 =	seq.s32 s5, $0x0;
	s5 =	sld [smem:$0x3FB3]  }
0x2b: {  	s6 =	sld [smem:$0x3FB4]  }
0x2c: {  	s7 =	sld [smem:$0x3FB5]  }
0x2d: {  	s3 =	simm.s32 $0x108;
	s8 =	sld [smem:$0x3FB6]  }
0x2e: {  	s3 =	simm.s32 @!p0 $0x1082;
	s9 =	sld [smem:$0x3FB7]  }
0x2f: {  	lr =	sadd.s32 s0, s3;
	s0 =	sld [smem:$0x3FAE]  }
0x30: {  	s3 =	sld [smem:$0x3FB1]  }
0x31: {  	[smem:$0x3FBA] =	sst s10  }
0x32: {  	s10 =	sld [smem:$0x3FB8];
	_ =	sdelay $0x3  }
0x33: {  	p0 =	seq.s32 s10, $0x1;
	s10 =	sld [smem:$0x3FBA];
	_ =	sdelay $0x3  }
0x34: {  	[smem:$0x3FBA] =	sst s10  }
0x35: {  	s10 =	sld [smem:$0x3FB9];
	_ =	sdelay $0x3  }
0x36: {  	p1 =	seq.s32 s10, $0x1;
	s10 =	sld [smem:$0x3FBA];
	_ =	sdelay $0x3  }
0x37: {  	[smem:$0x3FBA] =	sst s10  }
0x38: {  	s10 =	sld [smem:$0x3FBB]  }
0x39: {  	_ = 	snop;
	(pc) =	sbr.ind lr, $3  }
0x3a: {  	_ = 	snop  }
0x3b: {  	_ = 	snop  }
0x3c: {  	p2 =	seq.s32 s10, $0x1;
	s10 =	sld [smem:$0x3FBA]  }
0x3d: {  	_ =	shalt  }
0x3e: {  	_ =	shalt  }
0x3f: {  	_ =	shalt  }
0x40: {  	_ =	shalt  }
0x41: {  	_ =	shalt  }
0x42: {  	_ =	shalt  }
0x43: {  	_ =	shalt  }
0x44: {  	_ =	shalt  }
0x45: {  	_ =	shalt  }
0x46: {  	_ =	shalt  }
0x47: {  	_ =	shalt  }
0x48: {  	_ =	shalt  }
0x49: {  	_ =	shalt  }
0x4a: {  	_ =	shalt  }
0x4b: {  	_ =	shalt  }
0x4c: {  	_ =	shalt  }
0x4d: {  	_ =	shalt  }
0x4e: {  	_ =	shalt  }
0x4f: {  	_ =	shalt  }
0x50: {  	_ =	shalt  }
0x51: {  	_ =	shalt  }
0x52: {  	_ =	shalt  }
0x53: {  	_ =	shalt  }
0x54: {  	_ =	shalt  }
0x55: {  	_ =	shalt  }
0x56: {  	_ =	shalt  }
0x57: {  	_ =	shalt  }
0x58: {  	_ =	shalt  }
0x59: {  	_ =	shalt  }
0x5a: {  	_ =	shalt  }
0x5b: {  	_ =	shalt  }
0x5c: {  	_ =	shalt  }
0x5d: {  	_ =	shalt  }
0x5e: {  	_ =	shalt  }
0x5f: {  	_ =	shalt  }
0x60: {  	_ =	shalt  }
0x61: {  	_ =	shalt  }
0x62: {  	_ =	shalt  }
0x63: {  	_ =	shalt  }
0x64: {  	_ =	shalt  }
0x65: {  	_ =	shalt  }
0x66: {  	_ =	shalt  }
0x67: {  	_ =	shalt  }
0x68: {  	_ =	shalt  }
0x69: {  	_ =	shalt  }
0x6a: {  	_ =	shalt  }
0x6b: {  	_ =	shalt  }
0x6c: {  	_ =	shalt  }
0x6d: {  	_ =	shalt  }
0x6e: {  	_ =	shalt  }
0x6f: {  	_ =	shalt  }
0x70: {  	_ =	shalt  }
0x71: {  	_ =	shalt  }
0x72: {  	_ =	shalt  }
0x73: {  	_ =	shalt  }
0x74: {  	_ =	shalt  }
0x75: {  	_ =	shalt  }
0x76: {  	_ =	shalt  }
0x77: {  	_ =	shalt  }
0x78: {  	_ =	shalt  }
0x79: {  	_ =	shalt  }
0x7a: {  	_ =	shalt  }
0x7b: {  	_ =	shalt  }
0x7c: {  	_ =	shalt  }
0x7d: {  	_ =	shalt  }
0x7e: {  	_ =	shalt  }
0x7f: {  	_ =	shalt  }
0x80: {  	_ =	shalt  }
0x81: {  	_ =	shalt  }
0x82: {  	_ =	shalt  }
0x83: {  	_ =	shalt  }
0x84: {  	_ =	shalt  }
0x85: {  	_ =	shalt  }
0x86: {  	_ =	shalt  }
0x87: {  	_ =	shalt  }
.Lfunc_end0:
.L_simem_size_0:
called_computation_lowered:
.L_overlay_start_0:
0x88: {  	s2 =	sld [smem:$0x3FD9]  }
0x89: {  	s3 =	sld [smem:$0x3FFE];
	_ =	sdelay $0x1  }
0x8a: {  	s1 =	srdreg.scid  }
0x8b: {  	s0 =	sand.u32 $0x1, s1  }
0x8c: {  	s15 =	sshll.u32 s0, $0xA;
	s2 =	sadd.s32 s3, s2  }
0x8d: {  	s2 =	sadd.s32 s2, s15  }
0x8e: {  	[smem:$0x3FC6] =	sst s2  }
0x8f: {  	_ = 	snop  }
0x90: {  	s2 =	sld [smem:$0x3FD0];
	_ =	sdelay $0x2  }
0x91: {  	s4 =	simm.s32 $0xA;
	s5 =	simm.s32 $0x10;
	s16 =	sld [smem:$0x3FC8]  }
0x92: {  	[smem:s5], [sflag:s4] =	dma.local [hbm:s2], $0x1  }
0x93: {  	_ =	swait.eq [sflag:s4], $0x1  }
0x94: {  	[sflag:s4] =	ssyncset.done $0x0  }
0x95: {  	s17 =	sld [smem:$0x10];
	[sflag:s4] =	ssyncadd.s32 $0xFFFFFFFF  }
0x96: {  	s18 =	sld [smem:$0x11];
	(tm) =	ssettm $0x1  }
0x97: {  	s19 =	sld [smem:$0x3FFB];
	_ =	sdelay $0x3  }
0x98: {  	_ =	strace s19  }
0x99: {  	s5 =	sld [smem:$0x3FFC];
	_ =	sdelay $0x3  }
0x9a: {  	_ =	strace s5  }
0x9b: {  	s5 =	sld [smem:$0x3FFD];
	_ =	sdelay $0x3  }
0x9c: {  	_ =	strace s5  }
0x9d: {  	_ =	strace $0x8FFFFFFF  }
0x9e: {  	s20 =	sld [smem:$0x3FDB];
	_ =	sdelay $0x1  }
0x9f: {  	s6 =	simm.s32 $_scs_section_size  }
0xa0: {  	s7 =	simm.s32 $_size__tile_overlayer_lowered;
	s8 =	simm.s32 $_tile_overlayer_lowered  }
0xa1: {  	s23 =	simm.s32 $0x1BFF;
	s22 =	sshll.u32 s8, $0x1;
	s5 =	sadd.s32 s6, s20  }
0xa2: {  	s9 =	simm.s32 $0x0;
	s21 =	sshll.u32 s7, $0x1;
	s7 =	sadd.s32 s22, s5  }
0xa3: {  	[timem:s9], [sflag:s23] =	dma.local [hbm:s7], s21  }
0xa4: {  	_ =	swait.ge [sflag:s23], s21  }
0xa5: {  	s6 =	ssub.s32 $0x0, s21;
	[sflag:s23] =	ssyncset.done $0x0  }
0xa6: {  	[sflag:s23] =	ssyncadd.s32 s6;
	_ =	sdelay $0x1  }
0xa7: {  	s24 =	simm.s32 $0x1B8B  }
0xa8: {  	_ =	swait.ge [sflag:s24], $0x1  }
0xa9: {  	[sflag:s24] =	ssyncset.done $0x0  }
0xaa: {  	s25 =	simm.s32 $0x1B8E;
	[sflag:s24] =	ssyncadd.s32 $0xFFFFFFFF  }
0xab: {  	s26 =	simm.s32 $execute0_lowered;
	[smem:$0x3FD2] =	sst s25  }
0xac: {  	s6 =	sshll.u32 s26, $0x1;
	_ =	strace $0x80000046;
	[dreg:$0x1] =	wrdreg $0xFFFFFFFF  }
0xad: {  	s28 =	simm.s32 $_size_execute0_lowered;
	s5 =	sadd.s32 s5, s6;
	[dreg:$0x0] =	wrdreg $0x0  }
0xae: {  	s6 =	sshll.u32 s28, $0x1;
	[dreg:$0x2] =	wrdreg s5  }
0xaf: {  	[dreg:$0x3] =	wrdreg s6  }
0xb0: {  	[dreg:$0x4] =	wrdreg $0xC0  }
0xb1: {  	_ =	task [dreg:s9], $0x5FFFF  }
0xb2: {  	[dreg:$0x1] =	wrdreg $0xFFFFFFFF  }
0xb3: {  	[dreg:$0x0] =	wrdreg $0x60  }
0xb4: {  	[dreg:$0x2] =	wrdreg s18  }
0xb5: {  	[dreg:$0x3] =	wrdreg s16  }
0xb6: {  	[dreg:$0x4] =	wrdreg s17  }
0xb7: {  	[dreg:$0x5] =	wrdreg $0x9  }
0xb8: {  	_ =	task.clear_ibuf [dreg:s9], $0x6FFFF;
	_ =	strace $0x90000046  }
0xb9: {  	s29 =	simm.s32 $0x9;
	_ =	strace $0x80000048  }
0xba: {  	_ =	swait.ge [sflag:s29], $0x1  }
0xbb: {  	[sflag:s29] =	ssyncadd.s32 $0xFFFFFFFF  }
0xbc: {  	_ =	strace $0x90000048  }
0xbd: {  	_ =	sfence  }
0xbe: {  	s30 =	sld [smem:$0x0];
	_ =	sdelay $0x2  }
0xbf: {  	s31 =	sshll.u32 s1, $0xD;
	s1 =	sshrl.u32 s1, $0x2  }
0xc0: {  	s3 =	sand.u32 $0x4000, s31;
	s1 =	sadd.s32 s1, s30  }
0xc1: {  	s0 =	sor.u32 s3, s0;
	s1 =	sshll.u32 s1, $0x11  }
0xc2: {  	s0 =	sor.u32 s1, s0  }
0xc3: {  	s0 =	sadd.s32 $0x8F2B, s0  }
0xc4: {  	[sflag:s0] =	ssyncadd.remote.s32 $0x1  }
0xc5: {  	_ =	sfence.sel $0xFFFF  }
0xc6: {  	[dreg:$0x0] =	wrdreg $0xFFFFFFFF;
	(pc) =	sbr.abs _section_cstart, $3  }
0xc7: {  	[dreg:$0x1] =	wrdreg $0xFFFFFFFF  }
0xc8: {  	_ =	task.clear_ibuf [dreg:s9], $0x2FFFF;
	_ =	strace $0x9FFFFFFF  }
0xc9: {  	(tm) =	ssettm $0x7FFFFFFF  }
tec
execute0_lowered:
.L_overlay_start_1:
0x0: {  	(tag) =	ssettag $0x1  }
0x1: {  	s0 =	rddreg [dreg:$0x0]  }
0x2: {  	s2 =	rddreg [dreg:$0x1]  }
0x3: {  	s1 =	rddreg [dreg:$0x2]  }
0x4: {  	s3 =	srdreg.scid;
	s10 =	stileid.u32;
	s21 =	simm.s32 $0xA200  }
0x5: {  	s28 =	simm.s32 $0xC200;
	s16 =	simm.s32 $0xFA00;
	s20 =	simm.s32 $0x3  }
0x6: {  	s17 =	simm.s32 $0x4;
	s18 =	simm.s32 $0x5;
	s19 =	simm.s32 $0x6  }
0x7: {  	s22 =	simm.s32 $0x8;
	s29 =	simm.s32 $0xE;
	s15 =	simm.s32 $0x0  }
0x8: {  	s4 =	sand.u32 $0x1, s3;
	s3 =	simm.s32 $0x0;
	s5 =	sshll.u32 s10, $0xA  }
0x9: {  	s26 =	sshll.u32 s10, $0x11;
	s6 =	sshll.u32 s4, $0x9;
	[smem:$0x7FF] =	sst s3  }
0xa: {  	s7 =	ssub.s32 $0x2, s4;
	s31 =	sshll.u32 s4, $0x10;
	s4 =	simm.s32 $0x2  }
0xb: {  	s8 =	sor.u32 s6, s5;
	_ =	strace $0x80000047;
	s23 =	sshrl.u32 s7, $0x1  }
0xc: {  	s5 =	sadd.s32 $0x100, s2;
	s6 =	sshrl.u32 s8, $0x3;
	s9 =	ssub.s32 s7, s23  }
0xd: {  	s7 =	sadd.s32 $0x300, s2;
	s24 =	sshll.u32 s8, $0x7;
	s8 =	simm.s32 $0xE200  }
0xe: {  	s23 =	simm.s32 $0xD;
	s0 =	sadd.s32 s0, s6;
	s6 =	sadd.s32 $0x200, s2  }
.Ltmp0:
0xf: {  	s25 =	smax.u32 s9, $0x1;
	[dreg:$0x4] =	wrdreg s0;
	(pc) =	sbr.rel .LBB2_1-.Ltmp0, $4  }
0x10: {  	s9 =	sadd.s32 s24, s1;
	s24 =	simm.s32 $0x7;
	[dreg:$0x5] =	wrdreg s25  }
0x11: {  	v0 =	vlaneseq.u32;
	s30 =	sadd.s32 $0xFC00, s9;
	s0 =	sadd.s32 s26, s1;
	s11 =	sadd.s32 $0x1800, s9  }
0x12: {  	v1 =	vshrl.u32 v0, $0x3;
	s13 =	sadd.s32 $0x1000, s9;
	s14 =	sadd.s32 $0x800, s9;
	s1 =	simm.s32 $0x8200  }
0x13: {  	vm0 =	vmmov $0xffff;
	v0 =	vand.u32 $0x7, v0;
	v1 =	vmul.u32 $0x8, v1;
	s26 =	simm.s32 $0x1;
	[dreg:$0x6] =	wrdreg s30;
	s12 =	sadd.s32 s31, s0  }
.LBB2_4:
0x14: {  	_ =	swait.ge [sflag:s22], $0x2000  }
0x15: {  	[sflag:s22] =	ssyncset.done $0x0  }
0x16: {  	s31 =	simm.s32 $0x9;
	s0 =	rddreg [dreg:$0x6];
	[sflag:s22] =	ssyncadd.s32 $0xFFFFE000  }
0x17: {  	[hbm4b:s0+s3] =	stream.linear.scatter [tilespmem:s8], [sflag:$0x10], $0x2000, $0x38;
	[tilespmem:$0x10200] =	vst v63  }
0x18: {  	_ =	swait.ge [sflag:s31], $0x2000  }
0x19: {  	[sflag:s31] =	ssyncset.done $0x0  }
0x1a: {  	s10 =	simm.s32 $0xA;
	[sflag:s31] =	ssyncadd.s32 $0xFFFFE000  }
0x1b: {  	_ =	swait.ge [sflag:s10], $0x2000  }
0x1c: {  	[sflag:s10] =	ssyncset.done $0x0  }
0x1d: {  	s15 =	simm.s32 $0xB;
	[sflag:s10] =	ssyncadd.s32 $0xFFFFE000  }
0x1e: {  	_ =	swait.ge [sflag:s15], $0x2000  }
0x1f: {  	[sflag:s15] =	ssyncset.done $0x0  }
0x20: {  	s25 =	simm.s32 $0xC;
	[sflag:s15] =	ssyncadd.s32 $0xFFFFE000  }
0x21: {  	_ =	swait.ge [sflag:s25], $0x2000  }
0x22: {  	[sflag:s25] =	ssyncset.done $0x0  }
0x23: {  	[sflag:s25] =	ssyncadd.s32 $0xFFFFE000  }
0x24: {  	_ =	swait.ge [sflag:s23], $0x2000  }
0x25: {  	[sflag:s23] =	ssyncset.done $0x0  }
0x26: {  	[sflag:s23] =	ssyncadd.s32 $0xFFFFE000  }
0x27: {  	_ =	swait.ge [sflag:s29], $0x2000  }
0x28: {  	[sflag:s29] =	ssyncset.done $0x0  }
0x29: {  	s30 =	simm.s32 $0xF;
	[sflag:s29] =	ssyncadd.s32 $0xFFFFE000  }
0x2a: {  	_ =	swait.ge [sflag:s30], $0x2000  }
0x2b: {  	[sflag:s30] =	ssyncset.done $0x0  }
0x2c: {  	s10 =	simm.s32 $0x10;
	[sflag:s30] =	ssyncadd.s32 $0xFFFFE000  }
0x2d: {  	_ =	swait.ge [sflag:s10], $0x2000  }
0x2e: {  	s15 =	rddreg [dreg:$0x7]  }
0x2f: {  	s31 =	rddreg [dreg:$0x5];
	s15 =	sadd.s32 $0x1, s15  }
0x30: {  	p0 =	sne.s32 s15, s31  }
.Ltmp1:
0x31: {  	_ = 	snop;
	(pc) =	sbr.rel @!p0 .LBB2_5-.Ltmp1, $3  }
0x32: {  	_ =	sdelay $0x1  }
0x33: {  	[sflag:s10] =	ssyncset.done $0x0  }
0x34: {  	[sflag:s10] =	ssyncadd.s32 $0xFFFFE000  }
.LBB2_1:
0x35: {  	[dreg:$0x7] =	wrdreg s15  }
0x36: {  	s0 =	rddreg [dreg:$0x4];
	s15 =	simm.s32 $0x11  }
0x37: {  	[tilespmem:s3], [sflag:$0x11] =	stream.linear.gather [hbm4b:s0+s3], $0x200, $0x38;
	[tilespmem:$0x10200] =	vst v63  }
0x38: {  	_ =	swait.ge [sflag:s15], $0x200  }
0x39: {  	[sflag:s15] =	ssyncset.done $0x0  }
0x3a: {  	[sflag:s15] =	ssyncadd.s32 $0xFFFFFE00  }
0x3b: {  	v2 =	vld.msk [tilespmem:$0x0], $0xff;
	_ =	sdelay $0x4  }
0x3c: {  	v3 =	vshll.u32 v2, $0x3  }
0x3d: {  	v2 =	vand.u32 $0x7, v2;
	v3 =	vand.u32 $0xFFFFFFC0, v3  }
0x3e: {  	v2 =	vor.u32 v2, v3  }
0x3f: {  	v2 =	vperm.xlane v2, v0;
	_ =	sdelay $0x1  }
0x40: {  	v2 =	vadd.s32 v1, v2;
	_ =	sdelay $0x3  }
0x41: {  	s25 =	simm.s32 $0x200  }
0x42: {  	[tilespmem:s25], [sflag:$0x1] =	stream.indirect_vreg.gather [hbm4b:s2+s3], $0x80, v2, vm0, $0xb8;
	[tilespmem:$0x10200] =	vst v63  }
0x43: {  	s31 =	simm.s32 $0xA00  }
0x44: {  	[tilespmem:s31], [sflag:$0x1] =	stream.indirect_vreg.gather [hbm4b:s5+s3], $0x80, v2, vm0, $0xb8;
	[tilespmem:$0x10200] =	vst v63  }
0x45: {  	s10 =	simm.s32 $0x1200  }
0x46: {  	[tilespmem:s10], [sflag:$0x1] =	stream.indirect_vreg.gather [hbm4b:s6+s3], $0x80, v2, vm0, $0xb8;
	[tilespmem:$0x10200] =	vst v63  }
0x47: {  	s15 =	simm.s32 $0x1A00  }
0x48: {  	[tilespmem:s15], [sflag:$0x1] =	stream.indirect_vreg.gather [hbm4b:s7+s3], $0x80, v2, vm0, $0xb8;
	[tilespmem:$0x10200] =	vst v63  }
0x49: {  	v2 =	vld.msk [tilespmem:$0x8], $0xff;
	_ =	sdelay $0x4  }
0x4a: {  	v3 =	vshll.u32 v2, $0x3  }
0x4b: {  	v2 =	vand.u32 $0x7, v2;
	v3 =	vand.u32 $0xFFFFFFC0, v3  }
0x4c: {  	v2 =	vor.u32 v2, v3  }
0x4d: {  	v2 =	vperm.xlane v2, v0;
	_ =	sdelay $0x1  }
0x4e: {  	v2 =	vadd.s32 v1, v2;
	_ =	sdelay $0x3  }
0x4f: {  	s25 =	simm.s32 $0x2200  }
0x50: {  	[tilespmem:s25], [sflag:$0x2] =	stream.indirect_vreg.gather [hbm4b:s2+s3], $0x80, v2, vm0, $0xb8;
	[tilespmem:$0x10200] =	vst v63  }
0x51: {  	s31 =	simm.s32 $0x2A00  }
0x52: {  	[tilespmem:s31], [sflag:$0x2] =	stream.indirect_vreg.gather [hbm4b:s5+s3], $0x80, v2, vm0, $0xb8;
	[tilespmem:$0x10200] =	vst v63  }
0x53: {  	s10 =	simm.s32 $0x3200  }
0x54: {  	[tilespmem:s10], [sflag:$0x2] =	stream.indirect_vreg.gather [hbm4b:s6+s3], $0x80, v2, vm0, $0xb8;
	[tilespmem:$0x10200] =	vst v63  }
0x55: {  	s15 =	simm.s32 $0x3A00  }
0x56: {  	[tilespmem:s15], [sflag:$0x2] =	stream.indirect_vreg.gather [hbm4b:s7+s3], $0x80, v2, vm0, $0xb8;
	[tilespmem:$0x10200] =	vst v63  }
0x57: {  	v2 =	vld.msk [tilespmem:$0x10], $0xff;
	_ =	sdelay $0x4  }
0x58: {  	v3 =	vshll.u32 v2, $0x3  }
0x59: {  	v2 =	vand.u32 $0x7, v2;
	v3 =	vand.u32 $0xFFFFFFC0, v3  }
0x5a: {  	v2 =	vor.u32 v2, v3  }
0x5b: {  	v2 =	vperm.xlane v2, v0;
	_ =	sdelay $0x1  }
0x5c: {  	v2 =	vadd.s32 v1, v2;
	_ =	sdelay $0x3  }
0x5d: {  	s25 =	simm.s32 $0x4200  }
0x5e: {  	[tilespmem:s25], [sflag:$0x3] =	stream.indirect_vreg.gather [hbm4b:s2+s3], $0x80, v2, vm0, $0xb8;
	[tilespmem:$0x10200] =	vst v63  }
0x5f: {  	s31 =	simm.s32 $0x4A00  }
0x60: {  	[tilespmem:s31], [sflag:$0x3] =	stream.indirect_vreg.gather [hbm4b:s5+s3], $0x80, v2, vm0, $0xb8;
	[tilespmem:$0x10200] =	vst v63  }
0x61: {  	s10 =	simm.s32 $0x5200  }
0x62: {  	[tilespmem:s10], [sflag:$0x3] =	stream.indirect_vreg.gather [hbm4b:s6+s3], $0x80, v2, vm0, $0xb8;
	[tilespmem:$0x10200] =	vst v63  }
0x63: {  	s15 =	simm.s32 $0x5A00  }
0x64: {  	[tilespmem:s15], [sflag:$0x3] =	stream.indirect_vreg.gather [hbm4b:s7+s3], $0x80, v2, vm0, $0xb8;
	[tilespmem:$0x10200] =	vst v63  }
0x65: {  	v2 =	vld.msk [tilespmem:$0x18], $0xff;
	_ =	sdelay $0x4  }
0x66: {  	v3 =	vshll.u32 v2, $0x3  }
0x67: {  	v2 =	vand.u32 $0x7, v2;
	v3 =	vand.u32 $0xFFFFFFC0, v3  }
0x68: {  	v2 =	vor.u32 v2, v3  }
0x69: {  	v2 =	vperm.xlane v2, v0;
	_ =	sdelay $0x1  }
0x6a: {  	v2 =	vadd.s32 v1, v2;
	_ =	sdelay $0x3  }
0x6b: {  	s25 =	simm.s32 $0x6200  }
0x6c: {  	[tilespmem:s25], [sflag:$0x4] =	stream.indirect_vreg.gather [hbm4b:s2+s3], $0x80, v2, vm0, $0xb8;
	[tilespmem:$0x10200] =	vst v63  }
0x6d: {  	s31 =	simm.s32 $0x6A00  }
0x6e: {  	[tilespmem:s31], [sflag:$0x4] =	stream.indirect_vreg.gather [hbm4b:s5+s3], $0x80, v2, vm0, $0xb8;
	[tilespmem:$0x10200] =	vst v63  }
0x6f: {  	s10 =	simm.s32 $0x7200  }
0x70: {  	[tilespmem:s10], [sflag:$0x4] =	stream.indirect_vreg.gather [hbm4b:s6+s3], $0x80, v2, vm0, $0xb8;
	[tilespmem:$0x10200] =	vst v63  }
0x71: {  	s15 =	simm.s32 $0x7A00  }
0x72: {  	[tilespmem:s15], [sflag:$0x4] =	stream.indirect_vreg.gather [hbm4b:s7+s3], $0x80, v2, vm0, $0xb8;
	[tilespmem:$0x10200] =	vst v63  }
0x73: {  	v2 =	vld.msk [tilespmem:$0x20], $0xff;
	_ =	sdelay $0x4  }
0x74: {  	v3 =	vshll.u32 v2, $0x3  }
0x75: {  	v2 =	vand.u32 $0x7, v2;
	v3 =	vand.u32 $0xFFFFFFC0, v3  }
0x76: {  	v2 =	vor.u32 v2, v3  }
0x77: {  	v2 =	vperm.xlane v2, v0;
	_ =	sdelay $0x1  }
0x78: {  	v2 =	vadd.s32 v1, v2;
	_ =	sdelay $0x4  }
0x79: {  	[tilespmem:s1], [sflag:$0x5] =	stream.indirect_vreg.gather [hbm4b:s2+s3], $0x80, v2, vm0, $0xb8;
	[tilespmem:$0x10200] =	vst v63  }
0x7a: {  	s25 =	simm.s32 $0x8A00  }
0x7b: {  	[tilespmem:s25], [sflag:$0x5] =	stream.indirect_vreg.gather [hbm4b:s5+s3], $0x80, v2, vm0, $0xb8;
	[tilespmem:$0x10200] =	vst v63  }
0x7c: {  	s31 =	simm.s32 $0x9200  }
0x7d: {  	[tilespmem:s31], [sflag:$0x5] =	stream.indirect_vreg.gather [hbm4b:s6+s3], $0x80, v2, vm0, $0xb8;
	[tilespmem:$0x10200] =	vst v63  }
0x7e: {  	s10 =	simm.s32 $0x9A00  }
0x7f: {  	[tilespmem:s10], [sflag:$0x5] =	stream.indirect_vreg.gather [hbm4b:s7+s3], $0x80, v2, vm0, $0xb8;
	[tilespmem:$0x10200] =	vst v63  }
0x80: {  	v2 =	vld.msk [tilespmem:$0x28], $0xff;
	_ =	sdelay $0x4  }
0x81: {  	v3 =	vshll.u32 v2, $0x3  }
0x82: {  	v2 =	vand.u32 $0x7, v2;
	v3 =	vand.u32 $0xFFFFFFC0, v3  }
0x83: {  	v2 =	vor.u32 v2, v3  }
0x84: {  	v2 =	vperm.xlane v2, v0;
	_ =	sdelay $0x1  }
0x85: {  	v2 =	vadd.s32 v1, v2;
	_ =	sdelay $0x4  }
0x86: {  	[tilespmem:s21], [sflag:$0x6] =	stream.indirect_vreg.gather [hbm4b:s2+s3], $0x80, v2, vm0, $0xb8;
	[tilespmem:$0x10200] =	vst v63  }
0x87: {  	s15 =	simm.s32 $0xAA00  }
0x88: {  	[tilespmem:s15], [sflag:$0x6] =	stream.indirect_vreg.gather [hbm4b:s5+s3], $0x80, v2, vm0, $0xb8;
	[tilespmem:$0x10200] =	vst v63  }
0x89: {  	s25 =	simm.s32 $0xB200  }
0x8a: {  	[tilespmem:s25], [sflag:$0x6] =	stream.indirect_vreg.gather [hbm4b:s6+s3], $0x80, v2, vm0, $0xb8;
	[tilespmem:$0x10200] =	vst v63  }
0x8b: {  	s30 =	simm.s32 $0x0;
	s31 =	simm.s32 $0xBA00;
	s25 =	simm.s32 $0x38  }
0x8c: {  	[tilespmem:s31], [sflag:$0x6] =	stream.indirect_vreg.gather [hbm4b:s7+s3], $0x80, v2, vm0, $0xb8;
	[tilespmem:$0x10200] =	vst v63  }
.LBB2_2:
0x8d: {  	_ =	swait.ge [sflag:s26], $0x2000  }
0x8e: {  	s0 =	sadd.s32 s30, s12;
	[sflag:s26] =	ssyncset.done $0x0  }
0x8f: {  	s10 =	simm.s32 $0x200;
	p0 =	seq.s32 s30, $0x0;
	[sflag:s26] =	ssyncadd.s32 $0xFFFFE000  }
0x90: {  	[hbm4b:s0+s3] =	stream.linear.scatter [tilespmem:s10], [sflag:$0x9], $0x2000, $0x38;
	[tilespmem:$0x10200] =	vst v63  }
0x91: {  	s0 =	simm.s32 @!p0 $0xF  }
0x92: {  	_ =	swait.ge @!p0 [sflag:s0], $0x2000  }
0x93: {  	[sflag:s0] =	ssyncset.done @!p0 $0x0  }
0x94: {  	[sflag:s0] =	ssyncadd.s32 @!p0 $0xFFFFE000  }
0x95: {  	v2 =	vld.msk [tilespmem:s25+$0xFFFFFFF8], $0xff;
	_ =	sdelay $0x4  }
0x96: {  	v3 =	vshll.u32 v2, $0x3  }
0x97: {  	v2 =	vand.u32 $0x7, v2;
	v3 =	vand.u32 $0xFFFFFFC0, v3  }
0x98: {  	v2 =	vor.u32 v2, v3  }
0x99: {  	v2 =	vperm.xlane v2, v0;
	_ =	sdelay $0x1  }
0x9a: {  	v2 =	vadd.s32 v1, v2;
	_ =	sdelay $0x4  }
0x9b: {  	[tilespmem:s28], [sflag:$0x7] =	stream.indirect_vreg.gather [hbm4b:s2+s3], $0x80, v2, vm0, $0xb8;
	[tilespmem:$0x10200] =	vst v63  }
0x9c: {  	s15 =	simm.s32 $0xCA00  }
0x9d: {  	[tilespmem:s15], [sflag:$0x7] =	stream.indirect_vreg.gather [hbm4b:s5+s3], $0x80, v2, vm0, $0xb8;
	[tilespmem:$0x10200] =	vst v63  }
0x9e: {  	s10 =	simm.s32 $0xD200  }
0x9f: {  	[tilespmem:s10], [sflag:$0x7] =	stream.indirect_vreg.gather [hbm4b:s6+s3], $0x80, v2, vm0, $0xb8;
	[tilespmem:$0x10200] =	vst v63  }
0xa0: {  	s15 =	simm.s32 $0xDA00  }
0xa1: {  	[tilespmem:s15], [sflag:$0x7] =	stream.indirect_vreg.gather [hbm4b:s7+s3], $0x80, v2, vm0, $0xb8;
	[tilespmem:$0x10200] =	vst v63  }
0xa2: {  	_ =	swait.ge [sflag:s4], $0x2000  }
0xa3: {  	s31 =	sadd.s32 s30, s9;
	s0 =	simm.s32 @!p0 $0x10;
	[sflag:s4] =	ssyncset.done $0x0  }
0xa4: {  	s10 =	sadd.s32 $0x400, s31;
	s15 =	simm.s32 $0x2200;
	[sflag:s4] =	ssyncadd.s32 $0xFFFFE000  }
0xa5: {  	[hbm4b:s10+s3] =	stream.linear.scatter [tilespmem:s15], [sflag:$0xA], $0x2000, $0x38;
	[tilespmem:$0x10200] =	vst v63  }
0xa6: {  	_ =	swait.ge @!p0 [sflag:s0], $0x2000  }
0xa7: {  	[sflag:s0] =	ssyncset.done @!p0 $0x0  }
0xa8: {  	[sflag:s0] =	ssyncadd.s32 @!p0 $0xFFFFE000  }
0xa9: {  	v2 =	vld.msk [tilespmem:s25+$0x0], $0xff;
	_ =	sdelay $0x4  }
0xaa: {  	v3 =	vshll.u32 v2, $0x3  }
0xab: {  	v2 =	vand.u32 $0x7, v2;
	v3 =	vand.u32 $0xFFFFFFC0, v3  }
0xac: {  	v2 =	vor.u32 v2, v3  }
0xad: {  	v2 =	vperm.xlane v2, v0;
	_ =	sdelay $0x1  }
0xae: {  	v2 =	vadd.s32 v1, v2;
	_ =	sdelay $0x4  }
0xaf: {  	[tilespmem:s8], [sflag:$0x8] =	stream.indirect_vreg.gather [hbm4b:s2+s3], $0x80, v2, vm0, $0xb8;
	[tilespmem:$0x10200] =	vst v63  }
0xb0: {  	s10 =	simm.s32 $0xEA00  }
0xb1: {  	[tilespmem:s10], [sflag:$0x8] =	stream.indirect_vreg.gather [hbm4b:s5+s3], $0x80, v2, vm0, $0xb8;
	[tilespmem:$0x10200] =	vst v63  }
0xb2: {  	s15 =	simm.s32 $0xF200  }
0xb3: {  	[tilespmem:s15], [sflag:$0x8] =	stream.indirect_vreg.gather [hbm4b:s6+s3], $0x80, v2, vm0, $0xb8;
	[tilespmem:$0x10200] =	vst v63  }
0xb4: {  	_ = 	snop  }
0xb5: {  	[tilespmem:s16], [sflag:$0x8] =	stream.indirect_vreg.gather [hbm4b:s7+s3], $0x80, v2, vm0, $0xb8;
	[tilespmem:$0x10200] =	vst v63  }
0xb6: {  	p0 =	seq.s32 s30, $0xE000;
	_ =	swait.ge [sflag:s20], $0x2000  }
0xb7: {  	s0 =	simm.s32 @!p0 $0x9;
	[sflag:s20] =	ssyncset.done $0x0  }
0xb8: {  	s10 =	sadd.s32 s30, s14;
	s15 =	simm.s32 $0x4200;
	[sflag:s20] =	ssyncadd.s32 $0xFFFFE000  }
0xb9: {  	[hbm4b:s10+s3] =	stream.linear.scatter [tilespmem:s15], [sflag:$0xB], $0x2000, $0x38;
	[tilespmem:$0x10200] =	vst v63  }
0xba: {  	_ =	swait.ge @!p0 [sflag:s0], $0x2000  }
0xbb: {  	[sflag:s0] =	ssyncset.done @!p0 $0x0  }
0xbc: {  	[sflag:s0] =	ssyncadd.s32 @!p0 $0xFFFFE000  }
0xbd: {  	v2 =	vld.msk @!p0 [tilespmem:s25+$0x8], $0xff;
	_ =	sdelay $0x4  }
0xbe: {  	v3 =	vshll.u32 @!p0 v2, $0x3  }
0xbf: {  	v4 =	vlaneseq.u32 @!p0;
	v2 =	vand.u32 @!p0 $0x7, v2;
	v3 =	vand.u32 @!p0 $0xFFFFFFC0, v3  }
0xc0: {  	v2 =	vor.u32 @!p0 v2, v3;
	v3 =	vand.u32 @!p0 $0x7, v4;
	v4 =	vshrl.u32 @!p0 v4, $0x3  }
0xc1: {  	v2 =	vperm.xlane @!p0 v2, v3;
	v4 =	vmul.u32 @!p0 $0x8, v4;
	_ =	sdelay $0x1  }
0xc2: {  	v2 =	vadd.s32 @!p0 v4, v2;
	_ =	sdelay $0x3  }
0xc3: {  	vm1 =	vmmov @!p0 $0xffff;
	s10 =	simm.s32 @!p0 $0x200;
	s0 =	simm.s32 @!p0 $0x0  }
0xc4: {  	[tilespmem:s10], [sflag:$0x1] =	stream.indirect_vreg.gather @!p0 [hbm4b:s2+s0], $0x80, v2, vm1, $0xb8;
	[tilespmem:$0x10200] =	vst v63  }
0xc5: {  	s10 =	simm.s32 @!p0 $0xA00  }
0xc6: {  	[tilespmem:s10], [sflag:$0x1] =	stream.indirect_vreg.gather @!p0 [hbm4b:s5+s0], $0x80, v2, vm1, $0xb8;
	[tilespmem:$0x10200] =	vst v63  }
0xc7: {  	s10 =	simm.s32 @!p0 $0x1200  }
0xc8: {  	[tilespmem:s10], [sflag:$0x1] =	stream.indirect_vreg.gather @!p0 [hbm4b:s6+s0], $0x80, v2, vm1, $0xb8;
	[tilespmem:$0x10200] =	vst v63  }
0xc9: {  	s10 =	simm.s32 @!p0 $0x1A00  }
0xca: {  	[tilespmem:s10], [sflag:$0x1] =	stream.indirect_vreg.gather @!p0 [hbm4b:s7+s0], $0x80, v2, vm1, $0xb8;
	[tilespmem:$0x10200] =	vst v63  }
0xcb: {  	_ =	swait.ge [sflag:s17], $0x2000  }
0xcc: {  	[sflag:s17] =	ssyncset.done $0x0  }
0xcd: {  	s15 =	simm.s32 $0x6200;
	s10 =	sadd.s32 $0xC00, s31;
	[sflag:s17] =	ssyncadd.s32 $0xFFFFE000  }
0xce: {  	[hbm4b:s10+s3] =	stream.linear.scatter [tilespmem:s15], [sflag:$0xC], $0x2000, $0x38;
	[tilespmem:$0x10200] =	vst v63  }
0xcf: {  	s10 =	simm.s32 @!p0 $0xA  }
0xd0: {  	_ =	swait.ge @!p0 [sflag:s10], $0x2000  }
0xd1: {  	[sflag:s10] =	ssyncset.done @!p0 $0x0  }
0xd2: {  	[sflag:s10] =	ssyncadd.s32 @!p0 $0xFFFFE000  }
0xd3: {  	v2 =	vld.msk @!p0 [tilespmem:s25+$0x10], $0xff;
	_ =	sdelay $0x4  }
0xd4: {  	v5 =	vshll.u32 @!p0 v2, $0x3  }
0xd5: {  	v2 =	vand.u32 @!p0 $0x7, v2;
	v5 =	vand.u32 @!p0 $0xFFFFFFC0, v5  }
0xd6: {  	v2 =	vor.u32 @!p0 v2, v5  }
0xd7: {  	v2 =	vperm.xlane @!p0 v2, v3;
	_ =	sdelay $0x1  }
0xd8: {  	v2 =	vadd.s32 @!p0 v4, v2;
	_ =	sdelay $0x3  }
0xd9: {  	s10 =	simm.s32 @!p0 $0x2200  }
0xda: {  	[tilespmem:s10], [sflag:$0x2] =	stream.indirect_vreg.gather @!p0 [hbm4b:s2+s0], $0x80, v2, vm1, $0xb8;
	[tilespmem:$0x10200] =	vst v63  }
0xdb: {  	s10 =	simm.s32 @!p0 $0x2A00  }
0xdc: {  	[tilespmem:s10], [sflag:$0x2] =	stream.indirect_vreg.gather @!p0 [hbm4b:s5+s0], $0x80, v2, vm1, $0xb8;
	[tilespmem:$0x10200] =	vst v63  }
0xdd: {  	s10 =	simm.s32 @!p0 $0x3200  }
0xde: {  	[tilespmem:s10], [sflag:$0x2] =	stream.indirect_vreg.gather @!p0 [hbm4b:s6+s0], $0x80, v2, vm1, $0xb8;
	[tilespmem:$0x10200] =	vst v63  }
0xdf: {  	s10 =	simm.s32 @!p0 $0x3A00  }
0xe0: {  	[tilespmem:s10], [sflag:$0x2] =	stream.indirect_vreg.gather @!p0 [hbm4b:s7+s0], $0x80, v2, vm1, $0xb8;
	[tilespmem:$0x10200] =	vst v63  }
0xe1: {  	_ =	swait.ge [sflag:s18], $0x2000  }
0xe2: {  	[sflag:s18] =	ssyncset.done $0x0  }
0xe3: {  	s15 =	sadd.s32 s30, s13;
	s10 =	simm.s32 @!p0 $0xB;
	[sflag:s18] =	ssyncadd.s32 $0xFFFFE000  }
0xe4: {  	[hbm4b:s15+s3] =	stream.linear.scatter [tilespmem:s1], [sflag:$0xD], $0x2000, $0x38;
	[tilespmem:$0x10200] =	vst v63  }
0xe5: {  	_ =	swait.ge @!p0 [sflag:s10], $0x2000  }
0xe6: {  	[sflag:s10] =	ssyncset.done @!p0 $0x0  }
0xe7: {  	[sflag:s10] =	ssyncadd.s32 @!p0 $0xFFFFE000  }
0xe8: {  	v2 =	vld.msk @!p0 [tilespmem:s25+$0x18], $0xff;
	_ =	sdelay $0x4  }
0xe9: {  	v5 =	vshll.u32 @!p0 v2, $0x3  }
0xea: {  	v2 =	vand.u32 @!p0 $0x7, v2;
	v5 =	vand.u32 @!p0 $0xFFFFFFC0, v5  }
0xeb: {  	v2 =	vor.u32 @!p0 v2, v5  }
0xec: {  	v2 =	vperm.xlane @!p0 v2, v3;
	_ =	sdelay $0x1  }
0xed: {  	v2 =	vadd.s32 @!p0 v4, v2;
	_ =	sdelay $0x3  }
0xee: {  	s10 =	simm.s32 @!p0 $0x4200  }
0xef: {  	[tilespmem:s10], [sflag:$0x3] =	stream.indirect_vreg.gather @!p0 [hbm4b:s2+s0], $0x80, v2, vm1, $0xb8;
	[tilespmem:$0x10200] =	vst v63  }
0xf0: {  	s10 =	simm.s32 @!p0 $0x4A00  }
0xf1: {  	[tilespmem:s10], [sflag:$0x3] =	stream.indirect_vreg.gather @!p0 [hbm4b:s5+s0], $0x80, v2, vm1, $0xb8;
	[tilespmem:$0x10200] =	vst v63  }
0xf2: {  	s10 =	simm.s32 @!p0 $0x5200  }
0xf3: {  	[tilespmem:s10], [sflag:$0x3] =	stream.indirect_vreg.gather @!p0 [hbm4b:s6+s0], $0x80, v2, vm1, $0xb8;
	[tilespmem:$0x10200] =	vst v63  }
0xf4: {  	s10 =	simm.s32 @!p0 $0x5A00  }
0xf5: {  	[tilespmem:s10], [sflag:$0x3] =	stream.indirect_vreg.gather @!p0 [hbm4b:s7+s0], $0x80, v2, vm1, $0xb8;
	[tilespmem:$0x10200] =	vst v63  }
0xf6: {  	_ =	swait.ge [sflag:s19], $0x2000  }
0xf7: {  	[sflag:s19] =	ssyncset.done $0x0  }
0xf8: {  	s15 =	sadd.s32 $0x1400, s31;
	s10 =	simm.s32 @!p0 $0xC;
	[sflag:s19] =	ssyncadd.s32 $0xFFFFE000  }
0xf9: {  	[hbm4b:s15+s3] =	stream.linear.scatter [tilespmem:s21], [sflag:$0xE], $0x2000, $0x38;
	[tilespmem:$0x10200] =	vst v63  }
0xfa: {  	_ =	swait.ge @!p0 [sflag:s10], $0x2000  }
0xfb: {  	[sflag:s10] =	ssyncset.done @!p0 $0x0  }
0xfc: {  	[sflag:s10] =	ssyncadd.s32 @!p0 $0xFFFFE000  }
0xfd: {  	v2 =	vld.msk @!p0 [tilespmem:s25+$0x20], $0xff;
	_ =	sdelay $0x4  }
0xfe: {  	v5 =	vshll.u32 @!p0 v2, $0x3  }
0xff: {  	v2 =	vand.u32 @!p0 $0x7, v2;
	v5 =	vand.u32 @!p0 $0xFFFFFFC0, v5  }
0x100: {  	v2 =	vor.u32 @!p0 v2, v5  }
0x101: {  	v2 =	vperm.xlane @!p0 v2, v3;
	_ =	sdelay $0x1  }
0x102: {  	v2 =	vadd.s32 @!p0 v4, v2;
	_ =	sdelay $0x3  }
0x103: {  	s10 =	simm.s32 @!p0 $0x6200  }
0x104: {  	[tilespmem:s10], [sflag:$0x4] =	stream.indirect_vreg.gather @!p0 [hbm4b:s2+s0], $0x80, v2, vm1, $0xb8;
	[tilespmem:$0x10200] =	vst v63  }
0x105: {  	s10 =	simm.s32 @!p0 $0x6A00  }
0x106: {  	[tilespmem:s10], [sflag:$0x4] =	stream.indirect_vreg.gather @!p0 [hbm4b:s5+s0], $0x80, v2, vm1, $0xb8;
	[tilespmem:$0x10200] =	vst v63  }
0x107: {  	s10 =	simm.s32 @!p0 $0x7200  }
0x108: {  	[tilespmem:s10], [sflag:$0x4] =	stream.indirect_vreg.gather @!p0 [hbm4b:s6+s0], $0x80, v2, vm1, $0xb8;
	[tilespmem:$0x10200] =	vst v63  }
0x109: {  	s10 =	simm.s32 @!p0 $0x7A00  }
0x10a: {  	[tilespmem:s10], [sflag:$0x4] =	stream.indirect_vreg.gather @!p0 [hbm4b:s7+s0], $0x80, v2, vm1, $0xb8;
	[tilespmem:$0x10200] =	vst v63  }
.Ltmp2:
0x10b: {  	_ = 	snop;
	(pc) =	sbr.rel @p0 .LBB2_4-.Ltmp2, $4  }
0x10c: {  	_ =	swait.ge [sflag:s24], $0x2000  }
0x10d: {  	[sflag:s24] =	ssyncset.done $0x0  }
0x10e: {  	s15 =	sadd.s32 s30, s11;
	[sflag:s24] =	ssyncadd.s32 $0xFFFFE000  }
0x10f: {  	[hbm4b:s15+s3] =	stream.linear.scatter [tilespmem:s28], [sflag:$0xF], $0x2000, $0x38;
	[tilespmem:$0x10200] =	vst v63  }
0x110: {  	_ =	swait.ge [sflag:s23], $0x2000  }
0x111: {  	[sflag:s23] =	ssyncset.done $0x0  }
0x112: {  	[sflag:s23] =	ssyncadd.s32 $0xFFFFE000  }
0x113: {  	v2 =	vld.msk [tilespmem:s25+$0x28], $0xff;
	_ =	sdelay $0x4  }
0x114: {  	v3 =	vshll.u32 v2, $0x3  }
0x115: {  	v2 =	vand.u32 $0x7, v2;
	v3 =	vand.u32 $0xFFFFFFC0, v3  }
0x116: {  	v2 =	vor.u32 v2, v3  }
0x117: {  	v2 =	vperm.xlane v2, v0;
	_ =	sdelay $0x1  }
0x118: {  	v2 =	vadd.s32 v1, v2;
	_ =	sdelay $0x4  }
0x119: {  	[tilespmem:s1], [sflag:$0x5] =	stream.indirect_vreg.gather [hbm4b:s2+s3], $0x80, v2, vm0, $0xb8;
	[tilespmem:$0x10200] =	vst v63  }
0x11a: {  	s0 =	simm.s32 $0x8A00  }
0x11b: {  	[tilespmem:s0], [sflag:$0x5] =	stream.indirect_vreg.gather [hbm4b:s5+s3], $0x80, v2, vm0, $0xb8;
	[tilespmem:$0x10200] =	vst v63  }
0x11c: {  	s10 =	simm.s32 $0x9200  }
0x11d: {  	[tilespmem:s10], [sflag:$0x5] =	stream.indirect_vreg.gather [hbm4b:s6+s3], $0x80, v2, vm0, $0xb8;
	[tilespmem:$0x10200] =	vst v63  }
0x11e: {  	s15 =	simm.s32 $0x9A00  }
0x11f: {  	[tilespmem:s15], [sflag:$0x5] =	stream.indirect_vreg.gather [hbm4b:s7+s3], $0x80, v2, vm0, $0xb8;
	[tilespmem:$0x10200] =	vst v63  }
0x120: {  	_ =	swait.ge [sflag:s22], $0x2000  }
0x121: {  	[sflag:s22] =	ssyncset.done $0x0  }
0x122: {  	s31 =	sadd.s32 $0x1C00, s31;
	[sflag:s22] =	ssyncadd.s32 $0xFFFFE000  }
0x123: {  	[hbm4b:s31+s3] =	stream.linear.scatter [tilespmem:s8], [sflag:$0x10], $0x2000, $0x38;
	[tilespmem:$0x10200] =	vst v63  }
0x124: {  	_ =	swait.ge [sflag:s29], $0x2000  }
0x125: {  	[sflag:s29] =	ssyncset.done $0x0  }
0x126: {  	[sflag:s29] =	ssyncadd.s32 $0xFFFFE000  }
0x127: {  	v2 =	vld.msk [tilespmem:s25+$0x30], $0xff;
	_ =	sdelay $0x4  }
0x128: {  	v3 =	vshll.u32 v2, $0x3  }
0x129: {  	v2 =	vand.u32 $0x7, v2;
	v3 =	vand.u32 $0xFFFFFFC0, v3  }
0x12a: {  	v2 =	vor.u32 v2, v3  }
0x12b: {  	v2 =	vperm.xlane v2, v0;
	_ =	sdelay $0x1  }
0x12c: {  	v2 =	vadd.s32 v1, v2;
	_ =	sdelay $0x4  }
0x12d: {  	[tilespmem:s21], [sflag:$0x6] =	stream.indirect_vreg.gather [hbm4b:s2+s3], $0x80, v2, vm0, $0xb8;
	[tilespmem:$0x10200] =	vst v63  }
0x12e: {  	s10 =	simm.s32 $0xAA00  }
0x12f: {  	[tilespmem:s10], [sflag:$0x6] =	stream.indirect_vreg.gather [hbm4b:s5+s3], $0x80, v2, vm0, $0xb8;
	[tilespmem:$0x10200] =	vst v63  }
.Ltmp3:
0x130: {  	_ = 	snop;
	(pc) =	sbr.rel .LBB2_2-.Ltmp3, $4  }
0x131: {  	s15 =	simm.s32 $0xB200  }
0x132: {  	[tilespmem:s15], [sflag:$0x6] =	stream.indirect_vreg.gather [hbm4b:s6+s3], $0x80, v2, vm0, $0xb8;
	[tilespmem:$0x10200] =	vst v63  }
0x133: {  	s30 =	sadd.s32 $0x2000, s30;
	s31 =	simm.s32 $0xBA00;
	s25 =	sadd.s32 $0x40, s25  }
0x134: {  	[tilespmem:s31], [sflag:$0x6] =	stream.indirect_vreg.gather [hbm4b:s7+s3], $0x80, v2, vm0, $0xb8;
	[tilespmem:$0x10200] =	vst v63  }
.LBB2_5:
0x135: {  	_ =	sfence.sel $0x180000  }
0x136: {  	[bflag:$0x0] =	sbarrier.arrive $0xFFFF  }
0x137: {  	_ =	strace $0x90000047  }
0x138: {  	s0 =	stileid.u32;
	[bflag:$0x2] =	sbarrier.arrive $0xFFFF  }
0x139: {  	p0 =	sne.s32 s0, $0x0;
	s0 =	rddreg [dreg:$0x3]  }
0x13a: {  	s0 =	sadd.s32 @!p0 $0x100000, s0  }
0x13b: {  	[sflag:s0] =	ssyncadd.tile.s32 @!p0 $0x1;
	_ =	shalt  }
.Lfunc_end2:
_tile_overlayer_lowered:
.L_overlay_start_2:
0x13c: {  	(tag) =	ssettag $0x2  }
0x13d: {  	s0 =	rddreg [dreg:$0x0];
	s2 =	stileid.u32  }
0x13e: {  	s1 =	rddreg [dreg:$0x1];
	p0 =	sne.s32 s2, $0x0  }
0x13f: {  	s3 =	rddreg [dreg:$0x2];
	[bflag:$0x3] =	sbarrier.arrive $0xFFFF;
	s2 =	simm.s32 @!p0 $0x1C11  }
0x140: {  	[timem:s3], [sflag:s2] =	dma.local @!p0 [hbm:s0], s1  }
0x141: {  	s0 =	simm.s32 @!p0 $0x11  }
0x142: {  	_ =	swait.ge @!p0 [sflag:s0], s1  }
0x143: {  	s1 =	ssub.s32 @!p0 $0x0, s1;
	[sflag:s0] =	ssyncset.done @!p0 $0x0  }
0x144: {  	[sflag:s0] =	ssyncadd.s32 @!p0 s1  }
0x145: {  	[bflag:$0x3] =	sbarrier.arrive $0xFFFF  }
0x146: {  	_ =	shalt  }

</sc_bundles>
